<compile_context>
chip_gen: v7x
topology: tpu7x:2x2x1
jax: 0.10.2.dev20260603
libtpu: 0.0.44.dev20260713+nightly
codegen_flags: <defaults>
</compile_context>

<pallas_src>
import functools
import numpy as np
import jax
import jax.numpy as jnp
from jax import lax
from jax.experimental import pallas as pl
from jax.experimental.pallas import tpu as pltpu
from jax.experimental.pallas import tpu_sc as plsc

MUL_ = 8
KDIM_ = 8
VDIM_ = 8
NB_ = 32
RC_ = 2.5
EBLK = 1280
NEDGE = 160000
NEPAD = 161280
NWORK = 32
EPW = NEPAD // NWORK
GCH = 1008
NCH = EPW // GCH
NNPAD = 10240
NPT = NNPAD // 16
SCH = 80
NSCH = EPW // SCH


def _sc_gather(src_tab, dst_tab, src_idx, dst_idx, esrc_out, edst_out,
               sidx_v, srow_v, didx_v, drow_v, sem1, sem2):
    nc = 2
    wid = lax.axis_index("s") * nc + lax.axis_index("c")

    def body(g, carry):
        base = wid * EPW + g * GCH
        pltpu.sync_copy(src_idx.at[pl.ds(base, GCH)], sidx_v)
        pltpu.sync_copy(dst_idx.at[pl.ds(base, GCH)], didx_v)
        cp1 = pltpu.async_copy(src_tab.at[sidx_v], srow_v, sem1)
        cp2 = pltpu.async_copy(dst_tab.at[didx_v], drow_v, sem2)
        cp1.wait()
        cp2.wait()
        pltpu.sync_copy(srow_v, esrc_out.at[pl.ds(base, GCH)])
        pltpu.sync_copy(drow_v, edst_out.at[pl.ds(base, GCH)])
        return carry

    lax.fori_loop(0, NCH, body, 0)


def _gather_call(src_table, dst_table, src, dst):
    n = src_table.shape[0]
    mesh = plsc.VectorSubcoreMesh(core_axis_name="c", subcore_axis_name="s")
    k = functools.partial(
        pl.kernel, mesh=mesh,
        compiler_params=pltpu.CompilerParams(use_tc_tiling_on_sc=False, needs_layout_passes=False),
        out_type=[
            jax.ShapeDtypeStruct((NEPAD, 48), jnp.float32),
            jax.ShapeDtypeStruct((NEPAD, 16), jnp.float32),
        ],
        scratch_types=[
            pltpu.VMEM((GCH,), jnp.int32),
            pltpu.VMEM((GCH, 48), jnp.float32),
            pltpu.VMEM((GCH,), jnp.int32),
            pltpu.VMEM((GCH, 16), jnp.float32),
            pltpu.SemaphoreType.DMA,
            pltpu.SemaphoreType.DMA,
        ],
    )(_sc_gather)
    return k(src_table, dst_table, src, dst)


def _vtake(x, idx):
    dnums = lax.GatherDimensionNumbers(
        offset_dims=(), collapsed_slice_dims=(0,), start_index_map=(0,))
    return lax.gather(x, idx[:, None], dnums, slice_sizes=(1,),
                      mode=lax.GatherScatterMode.PROMISE_IN_BOUNDS)


def _runmax_scatter_prep(d, sv):
    ks, vs = plsc.sort_key_val(d, sv)
    lane = lax.iota(jnp.int32, 16)
    for sft in (1, 2, 4, 8):
        j2 = jnp.maximum(lane - sft, 0)
        kv = _vtake(ks, j2)
        xv = _vtake(vs, j2)
        vs = jnp.where(jnp.logical_and(kv == ks, lane >= sft),
                       jnp.maximum(vs, xv), vs)
    nxt = _vtake(ks, jnp.minimum(lane + 1, 15))
    is_end = jnp.logical_or(lane == 15, nxt != ks)
    return ks, vs, is_end


def _sc_segmax(dst_idx, sim_in, m_out, mloc, dstc, simc, shared, sem):
    nc = 2
    cid = lax.axis_index("c")
    sid = lax.axis_index("s")
    wid = sid * nc + cid
    neg = jnp.full((16,), -1e30, jnp.float32)

    def initb(i, c):
        mloc[pl.ds(i * 16, 16)] = neg
        return c
    lax.fori_loop(0, NNPAD // 16, initb, 0)

    def chunk(g, c):
        base = wid * EPW + g * GCH
        pltpu.sync_copy(dst_idx.at[pl.ds(base, GCH)], dstc)
        pltpu.sync_copy(sim_in.at[pl.ds(base, GCH)], simc)

        def grp(j, c2):
            d = dstc[pl.ds(j * 16, 16)]
            sv = simc[pl.ds(j * 16, 16)]
            ks, vs, is_end = _runmax_scatter_prep(d, sv)
            cur = plsc.load_gather(mloc, [ks])
            plsc.store_scatter(mloc, [ks], jnp.maximum(cur, vs), mask=is_end)
            return c2
        lax.fori_loop(0, GCH // 16, grp, 0)
        return c
    lax.fori_loop(0, NCH, chunk, 0)

    if True:
        pltpu.sync_copy(mloc, shared.at[sid])
        plsc.subcore_barrier()
        off = sid * NPT
        def red(t, c):
            pltpu.sync_copy(shared.at[t, pl.ds(off, NPT)], simc.at[pl.ds(0, NPT)])
            def mx(i, c2):
                sl = pl.ds(off + i * 16, 16)
                mloc[sl] = jnp.maximum(mloc[sl], simc[pl.ds(i * 16, 16)])
                return c2
            lax.fori_loop(0, NPT // 16, mx, 0)
            return c
        lax.fori_loop(0, 16, red, 0)
        pltpu.sync_copy(mloc.at[pl.ds(off, NPT)], m_out.at[cid, pl.ds(off, NPT)])


def _segmax_call(dst, sim):
    mesh = plsc.VectorSubcoreMesh(core_axis_name="c", subcore_axis_name="s")
    k = functools.partial(
        pl.kernel, mesh=mesh,
        compiler_params=pltpu.CompilerParams(use_tc_tiling_on_sc=False, needs_layout_passes=False),
        out_type=jax.ShapeDtypeStruct((2, NNPAD), jnp.float32),
        scratch_types=[
            pltpu.VMEM((NNPAD,), jnp.float32),
            pltpu.VMEM((GCH,), jnp.int32),
            pltpu.VMEM((GCH,), jnp.float32),
            pltpu.VMEM_SHARED((16, NNPAD), jnp.float32),
            pltpu.SemaphoreType.DMA,
        ],
    )(_sc_segmax)
    return k(dst, sim)


def _sc_scatter_add(dst_idx, sim_in, vt_in, m2_in, zrows, part_out,
                    mfull, tmpm, dstc, simc, vbuf, block, outbuf, acc, sem):
    nc = 2
    cid = lax.axis_index("c")
    sid = lax.axis_index("s")
    wid = sid * nc + cid
    lane = lax.iota(jnp.int32, 16)

    pltpu.sync_copy(m2_in.at[0], mfull)
    pltpu.sync_copy(m2_in.at[1], tmpm)

    def mrg(i, c):
        sl = pl.ds(i * 16, 16)
        mfull[sl] = jnp.maximum(mfull[sl], tmpm[sl])
        return c
    lax.fori_loop(0, NNPAD // 16, mrg, 0)

    pltpu.sync_copy(zrows.at[pl.ds(0, SCH)], block)

    if True:
        pltpu.sync_copy(zrows, acc.at[pl.ds(sid * NPT, NPT)])
        plsc.subcore_barrier()

        def chunk(g, c):
            base = wid * EPW + g * SCH
            pltpu.sync_copy(dst_idx.at[pl.ds(base, SCH)], dstc)
            pltpu.sync_copy(sim_in.at[pl.ds(base, SCH)], simc)
            for comp in range(8):
                pltpu.sync_copy(vt_in.at[comp, pl.ds(base, SCH)],
                                vbuf.at[comp])

            def grp(j, c2):
                off = j * 16
                d = dstc[pl.ds(off, 16)]
                sv = simc[pl.ds(off, 16)]
                mv = plsc.load_gather(mfull, [d])
                t = jnp.exp((sv - mv) * 0.5)
                rows = off + lane
                for comp in range(8):
                    tv = t * vbuf[comp, pl.ds(off, 16)]
                    cc = jnp.full((16,), comp, jnp.int32)
                    plsc.store_scatter(block, [rows, cc], tv)
                plsc.store_scatter(block, [rows, jnp.full((16,), 8, jnp.int32)],
                                   t * t)
                return c2
            lax.fori_loop(0, SCH // 16, grp, 0)
            pltpu.sync_copy(block, acc.at[dstc], add=True)
            return c
        lax.fori_loop(0, NSCH, chunk, 0)

        plsc.subcore_barrier()
        off = sid * NPT
        pltpu.sync_copy(acc.at[pl.ds(off, NPT)], outbuf)
        pltpu.sync_copy(outbuf, part_out.at[cid, pl.ds(off, NPT)])


def _scatter_add_call(dst, sim, vt, m2):
    mesh = plsc.VectorSubcoreMesh(core_axis_name="c", subcore_axis_name="s")
    zrows = jnp.zeros((NPT, 16), jnp.float32)
    k = functools.partial(
        pl.kernel, mesh=mesh,
        compiler_params=pltpu.CompilerParams(use_tc_tiling_on_sc=False, needs_layout_passes=False),
        out_type=jax.ShapeDtypeStruct((2, NNPAD, 16), jnp.float32),
        scratch_types=[
            pltpu.VMEM((NNPAD,), jnp.float32),
            pltpu.VMEM((NNPAD,), jnp.float32),
            pltpu.VMEM((SCH,), jnp.int32),
            pltpu.VMEM((SCH,), jnp.float32),
            pltpu.VMEM((8, SCH), jnp.float32),
            pltpu.VMEM((SCH, 16), jnp.float32),
            pltpu.VMEM((NPT, 16), jnp.float32),
            pltpu.VMEM_SHARED((NNPAD, 16), jnp.float32),
            pltpu.SemaphoreType.DMA,
        ],
    )(_sc_scatter_add)
    return k(dst, sim, vt, m2, zrows)


def _final_body(part_ref, out_ref):
    p0 = part_ref[0]
    p1 = part_ref[1]
    numer = p0[:10000, :8] + p1[:10000, :8]
    denom = p0[:10000, 8:9] + p1[:10000, 8:9]
    coef = jnp.where(denom > 0, jax.lax.rsqrt(jnp.where(denom > 0, denom, 1.0)), 0.0)
    out_ref[...] = numer * coef


def _final_call(part):
    return pl.pallas_call(
        _final_body,
        out_shape=jax.ShapeDtypeStruct((10000, 8), jnp.float32),
    )(part)


def _dense_body(esrc_ref, edst_ref, wq_ref, wsim_ref, wk1_ref, wk2_ref,
                wv1_ref, wv2_ref, sim_ref, vt_ref):
    esrc = esrc_ref[...]
    edst = edst_ref[...]
    x0 = esrc[:, 0:8]
    x1x = esrc[:, 8:16]
    x1y = esrc[:, 16:24]
    x1z = esrc[:, 24:32]
    pos_s = esrc[:, 32:35]
    pos_d = edst[:, 0:3]
    xd8 = edst[:, 3:11]

    vec = pos_s - pos_d
    r2 = jnp.sum(vec * vec, axis=1, keepdims=True)
    r = jnp.sqrt(jnp.maximum(r2, 1e-12))
    u = vec / r

    roots = (jax.lax.broadcasted_iota(jnp.int32, (1, NB_), 1).astype(jnp.float32) + 1.0) * np.pi
    r_safe = jnp.where(r > 1e-6, r, 1.0)
    mask = jnp.logical_and(r > 1e-6, r < RC_).astype(jnp.float32)
    emb = (np.sqrt(2.0 / RC_) * np.sqrt(float(NB_))) * jnp.sin(roots * (r / RC_)) / r_safe * mask

    h_k = jax.nn.silu(jnp.dot(emb, wk1_ref[...], preferred_element_type=jnp.float32) / np.sqrt(float(NB_)))
    wk = jnp.dot(h_k, wk2_ref[...], preferred_element_type=jnp.float32) / 4.0
    h_v = jax.nn.silu(jnp.dot(emb, wv1_ref[...], preferred_element_type=jnp.float32) / np.sqrt(float(NB_)))
    wv = jnp.dot(h_v, wv2_ref[...], preferred_element_type=jnp.float32) / 4.0

    ux = u[:, 0:1]
    uy = u[:, 1:2]
    uz = u[:, 2:3]
    s = x1x * ux + x1y * uy + x1z * uz

    k = jnp.zeros_like(x0)
    v = jnp.zeros_like(x0)
    for uu in range(MUL_):
        xc = x0[:, uu:uu + 1]
        sc = s[:, uu:uu + 1]
        k = k + xc * wk[:, uu * 8:(uu + 1) * 8] + sc * wk[:, 64 + uu * 8:64 + (uu + 1) * 8]
        v = v + xc * wv[:, uu * 8:(uu + 1) * 8] + sc * wv[:, 64 + uu * 8:64 + (uu + 1) * 8]
    k = k / 4.0
    v = v / 4.0

    qd = jnp.dot(xd8, wq_ref[...], preferred_element_type=jnp.float32) / np.sqrt(8.0)
    qw = jnp.dot(qd, wsim_ref[...], preferred_element_type=jnp.float32)
    sim = jnp.sum(qw * k, axis=1) / 8.0

    gid = pl.program_id(0) * EBLK + jax.lax.broadcasted_iota(jnp.int32, (EBLK,), 0)
    sim = jnp.where(gid < NEDGE, sim, -1e30)

    sim_ref[...] = sim[None, :]
    vt_ref[...] = v.T


def _dense_call(esrc, edst, Wq, Wsim, Wk1, Wk2, Wv1, Wv2):
    E = esrc.shape[0]
    grid = E // EBLK
    full = lambda shp: pl.BlockSpec(shp, lambda i: (0,) * len(shp))
    return pl.pallas_call(
        _dense_body,
        grid=(grid,),
        in_specs=[
            pl.BlockSpec((EBLK, 48), lambda i: (i, 0)),
            pl.BlockSpec((EBLK, 16), lambda i: (i, 0)),
            full((8, 8)), full((8, 8)),
            full((NB_, 16)), full((16, 128)),
            full((NB_, 16)), full((16, 128)),
        ],
        out_specs=[
            pl.BlockSpec((1, EBLK), lambda i: (0, i)),
            pl.BlockSpec((8, EBLK), lambda i: (0, i)),
        ],
        out_shape=[
            jax.ShapeDtypeStruct((1, E), jnp.float32),
            jax.ShapeDtypeStruct((8, E), jnp.float32),
        ],
        compiler_params=pltpu.CompilerParams(
            dimension_semantics=("arbitrary",)),
    )(esrc, edst, Wq, Wsim, Wk1, Wk2, Wv1, Wv2)


def kernel(x, pos, edge_index, Wq, Wsim, Wk1, Wk2, Wv1, Wv2):
    n = x.shape[0]
    pad = jnp.zeros((NEPAD - NEDGE,), jnp.int32)
    src = jnp.concatenate([edge_index[0], pad])
    dst = jnp.concatenate([edge_index[1], pad])

    x0 = x[:, :MUL_]
    x1 = x[:, MUL_:].reshape(n, MUL_, 3)
    src_table = jnp.concatenate(
        [x0, x1[:, :, 0], x1[:, :, 1], x1[:, :, 2], pos,
         jnp.zeros((n, 13), jnp.float32)], axis=1)
    dst_table = jnp.concatenate(
        [pos, x[:, :MUL_], jnp.zeros((n, 5), jnp.float32)], axis=1)

    esrc, edst = _gather_call(src_table, dst_table, src, dst)
    sim2, vt = _dense_call(esrc, edst, Wq, Wsim, Wk1, Wk2, Wv1, Wv2)
    sim = sim2.reshape(NEPAD)
    m2 = _segmax_call(dst, sim)
    part = _scatter_add_call(dst, sim, vt, m2)
    return _final_call(part)

# --- scband reference (transcript-rebuilt; emitter-appended) ---
"""Pipeline reference for scband-o3-attention-layer-81381040324943 (READ-ONLY COPY).

The authoritative reference and input builder live on the scoring server;
editing this copy changes nothing except your own understanding.
"""

import jax, jax.numpy as jnp
import numpy as np

MUL = 8
KDIM = 8
VDIM = 8
NUM_BASIS = 32
MAX_RADIUS = 2.5
N_NODES = 10000
N_EDGES = 160000
IN_DIM = 32  # irreps '8x0e + 8x1o' -> 8 + 8*3 = 32
W_NUMEL = 2 * MUL * KDIM  # two uvw paths (0e x 0e -> 0e, 1o x 1o -> 0e)


def _sph_lmax2(u):
    x, y, z = u[:, 0], u[:, 1], u[:, 2]
    sh0 = jnp.ones_like(x)
    s3 = np.sqrt(3.0); s15 = np.sqrt(15.0); s5 = np.sqrt(5.0)
    return jnp.stack([
        sh0,
        s3 * x, s3 * y, s3 * z,
        s15 * x * y, s15 * y * z, (s5 / 2.0) * (3.0 * z * z - 1.0), s15 * x * z, (s15 / 2.0) * (x * x - y * y),
    ], axis=1)


def _bessel(r, num, c):
    roots = jnp.arange(1, num + 1, dtype=jnp.float32) * np.pi
    r_safe = jnp.where(r > 1e-6, r, 1.0)
    out = np.sqrt(2.0 / c) * jnp.sin(roots[None, :] * r[:, None] / c) / r_safe[:, None]
    mask = ((r > 1e-6) & (r < c)).astype(jnp.float32)
    return out * mask[:, None] * np.sqrt(float(num))


def _mlp(e, W1, W2):
    h = jax.nn.silu(e @ W1 / np.sqrt(float(W1.shape[0])))
    return h @ W2 / np.sqrt(float(W2.shape[0]))


def _fc_tp(xe, sph, w, out_mul):
    # FullyConnectedTensorProduct('8x0e+8x1o' x sph -> f'{out_mul}x0e'), per-edge external weights
    x0 = xe[:, :MUL]
    x1 = xe[:, MUL:].reshape(-1, MUL, 3)
    y0 = sph[:, 0:1]
    y1 = sph[:, 1:4]
    w = w.reshape(-1, 2, MUL, out_mul)
    p1 = jnp.einsum('eu,euw->ew', x0 * y0, w[:, 0])
    s = jnp.einsum('eui,ei->eu', x1, y1) / np.sqrt(3.0)  # w3j(1,1,0)
    p2 = jnp.einsum('eu,euw->ew', s, w[:, 1])
    return (p1 + p2) / np.sqrt(2.0 * MUL)  # path norm 'element': fan_in = MUL + MUL


def _forward(x, pos, Wq, Wsim, Wk1, Wk2, Wv1, Wv2, src, dst):
    n = x.shape[0]
    vec = pos[src] - pos[dst]
    r2 = jnp.sum(vec * vec, axis=1)
    r = jnp.sqrt(jnp.maximum(r2, 1e-12))
    emb = _bessel(r, NUM_BASIS, MAX_RADIUS)
    u = vec / r[:, None]
    sph = _sph_lmax2(u)
    q = (x[:, :MUL] @ Wq) / np.sqrt(float(MUL))  # o3.Linear: only 0e->0e path
    wk = _mlp(emb, Wk1, Wk2)
    wv = _mlp(emb, Wv1, Wv2)
    xs = x[src]
    k = _fc_tp(xs, sph, wk, KDIM)
    v = _fc_tp(xs, sph, wv, VDIM)
    sim = jnp.einsum('eu,ev,uv->e', q[dst], k, Wsim) / np.sqrt(float(MUL * KDIM))
    m = jax.ops.segment_max(sim, dst, num_segments=n)
    a = jnp.exp(sim - m[dst])
    denom = jax.ops.segment_sum(a, dst, num_segments=n)
    d = denom[dst]
    attn = a / jnp.where(d > 0, d, 1.0)
    msg = jnp.sqrt(jax.nn.relu(attn) + 1e-12)[:, None] * v
    return jax.ops.segment_sum(msg, dst, num_segments=n)


def setup_inputs(seed: int = 0) -> dict:
    key = jax.random.key(seed)
    ks = jax.random.split(key, 9)
    x = jax.random.normal(ks[0], (N_NODES, IN_DIM), dtype=jnp.float32)
    pos = jax.random.uniform(ks[1], (N_NODES, 3), dtype=jnp.float32)
    edge_index = jax.random.randint(ks[2], (2, N_EDGES), 0, N_NODES, dtype=jnp.int32)
    Wq = jax.random.normal(ks[3], (MUL, MUL), dtype=jnp.float32)
    Wsim = jax.random.normal(ks[4], (MUL, KDIM), dtype=jnp.float32)
    Wk1 = jax.random.normal(ks[5], (NUM_BASIS, 16), dtype=jnp.float32)
    Wk2 = jax.random.normal(ks[6], (16, W_NUMEL), dtype=jnp.float32)
    Wv1 = jax.random.normal(ks[7], (NUM_BASIS, 16), dtype=jnp.float32)
    Wv2 = jax.random.normal(ks[8], (16, W_NUMEL), dtype=jnp.float32)
    return {"x": x, "pos": pos, "edge_index": edge_index, "Wq": Wq, "Wsim": Wsim,
            "Wk1": Wk1, "Wk2": Wk2, "Wv1": Wv1, "Wv2": Wv2}


def reference(x, pos, edge_index, Wq, Wsim, Wk1, Wk2, Wv1, Wv2):
    src = edge_index[0]
    dst = edge_index[1]
    return _forward(x, pos, Wq, Wsim, Wk1, Wk2, Wv1, Wv2, src, dst)

if __name__ == "__main__":
    import jax
    _d = setup_inputs()
    print(jax.jit(kernel)(*tuple(_d.values())))

</pallas_src>

<mosaic_0001>
#map = affine_map<(d0, d1) -> (0, 0)>
#map1 = affine_map<(d0, d1) -> (0)>
module attributes {stable_mosaic.version = 14 : i64} {
  func.func @_sc_gather(%arg0: i32, %arg1: i32, %arg2: memref<10000x48xf32, #tpu.memory_space<hbm>>, %arg3: memref<10000x16xf32, #tpu.memory_space<hbm>>, %arg4: memref<161280xi32, #tpu.memory_space<hbm>>, %arg5: memref<161280xi32, #tpu.memory_space<hbm>>, %arg6: memref<161280x48xf32, #tpu.memory_space<hbm>>, %arg7: memref<161280x16xf32, #tpu.memory_space<hbm>>, %arg8: memref<1008xi32, #tpu.memory_space<vmem>>, %arg9: memref<1008x48xf32, #tpu.memory_space<vmem>>, %arg10: memref<1008xi32, #tpu.memory_space<vmem>>, %arg11: memref<1008x16xf32, #tpu.memory_space<vmem>>, %arg12: memref<!tpu.dma_semaphore, #tpu.memory_space<semaphore_mem>>, %arg13: memref<!tpu.dma_semaphore, #tpu.memory_space<semaphore_mem>>) attributes {dimension_semantics = [#tpu.dimension_semantics<core_parallel>, #tpu.dimension_semantics<subcore_parallel>], iteration_bounds = array<i64: 2, 16>, scalar_prefetch = 0 : i64, scratch_operands = 6 : i64, tpu.core_type = #tpu.core_type<sc_vector_subcore>, window_params = [{transform_indices = #map}, {transform_indices = #map}, {transform_indices = #map1}, {transform_indices = #map1}, {transform_indices = #map}, {transform_indices = #map}]} {
    %mul3A = arith.constant 2 : i32
    %mul3A_0 = arith.muli %arg1, %mul3A : i32
    %add3A = arith.addi %mul3A_0, %arg0 : i32
    %scan3A = arith.constant 0 : i32
    %scan3A_1 = arith.constant 0 : i32
    %scan3A_2 = arith.constant 5 : i32
    %scan3A_3 = arith.addi %scan3A_1, %scan3A_2 : i32
    %scan3A_4 = arith.constant 1 : i32
    scf.for %scan3A_6 = %scan3A_1 to %scan3A_3 step %scan3A_4  : i32 {
      %mul3A_7 = arith.constant 5040 : i32
      %mul3A_8 = arith.muli %add3A, %mul3A_7 : i32
      %mul3A_9 = arith.constant 1008 : i32
      %mul3A_10 = arith.muli %scan3A_6, %mul3A_9 : i32
      %add3A_11 = arith.addi %mul3A_8, %mul3A_10 : i32
      "tpu.region"() ({
        %run_scoped3A = tpu.sem_alloc : memref<!tpu.dma_semaphore, #tpu.memory_space<semaphore_mem>>
        %dma_start3A_22 = tpu.memref_slice %arg4[%add3A_11] : memref<161280xi32, #tpu.memory_space<hbm>> -> memref<1008xi32, #tpu.memory_space<hbm>>
        %dma_start3A_23 = tpu.memref_slice %arg4[%add3A_11] : memref<161280xi32, #tpu.memory_space<hbm>> -> memref<1008xi32, #tpu.memory_space<hbm>>
        tpu.enqueue_dma source(%dma_start3A_23 : memref<1008xi32, #tpu.memory_space<hbm>>) target(%arg8 : memref<1008xi32, #tpu.memory_space<vmem>>) target_semaphore(%run_scoped3A : memref<!tpu.dma_semaphore, #tpu.memory_space<semaphore_mem>>)
        %dma_wait3A_24 = tpu.memref_slice %arg4[%add3A_11] : memref<161280xi32, #tpu.memory_space<hbm>> -> memref<1008xi32, #tpu.memory_space<hbm>>
        %dma_wait3A_25 = tpu.memref_slice %arg4[%add3A_11] : memref<161280xi32, #tpu.memory_space<hbm>> -> memref<1008xi32, #tpu.memory_space<hbm>>
        tpu.wait_dma2 semaphore(%run_scoped3A : memref<!tpu.dma_semaphore, #tpu.memory_space<semaphore_mem>>) src(%dma_wait3A_25 : memref<1008xi32, #tpu.memory_space<hbm>>) dst(%arg8 : memref<1008xi32, #tpu.memory_space<vmem>>)
        tpu.yield
      }) : () -> ()
      "tpu.region"() ({
        %run_scoped3A = tpu.sem_alloc : memref<!tpu.dma_semaphore, #tpu.memory_space<semaphore_mem>>
        %dma_start3A_22 = tpu.memref_slice %arg5[%add3A_11] : memref<161280xi32, #tpu.memory_space<hbm>> -> memref<1008xi32, #tpu.memory_space<hbm>>
        %dma_start3A_23 = tpu.memref_slice %arg5[%add3A_11] : memref<161280xi32, #tpu.memory_space<hbm>> -> memref<1008xi32, #tpu.memory_space<hbm>>
        tpu.enqueue_dma source(%dma_start3A_23 : memref<1008xi32, #tpu.memory_space<hbm>>) target(%arg10 : memref<1008xi32, #tpu.memory_space<vmem>>) target_semaphore(%run_scoped3A : memref<!tpu.dma_semaphore, #tpu.memory_space<semaphore_mem>>)
        %dma_wait3A_24 = tpu.memref_slice %arg5[%add3A_11] : memref<161280xi32, #tpu.memory_space<hbm>> -> memref<1008xi32, #tpu.memory_space<hbm>>
        %dma_wait3A_25 = tpu.memref_slice %arg5[%add3A_11] : memref<161280xi32, #tpu.memory_space<hbm>> -> memref<1008xi32, #tpu.memory_space<hbm>>
        tpu.wait_dma2 semaphore(%run_scoped3A : memref<!tpu.dma_semaphore, #tpu.memory_space<semaphore_mem>>) src(%dma_wait3A_25 : memref<1008xi32, #tpu.memory_space<hbm>>) dst(%arg10 : memref<1008xi32, #tpu.memory_space<vmem>>)
        tpu.yield
      }) : () -> ()
      %dma_start3A = arith.constant 0 : i32
      %dma_start3A_12 = arith.constant 0 : i32
      %dma_start3A_13 = tpu.memref_slice %arg2[%dma_start3A, %dma_start3A_12] : memref<10000x48xf32, #tpu.memory_space<hbm>> -> memref<10000x48xf32, #tpu.memory_space<hbm>>
      tpu.enqueue_indirect_dma source(%dma_start3A_13 : memref<10000x48xf32, #tpu.memory_space<hbm>>) target(%arg9 : memref<1008x48xf32, #tpu.memory_space<vmem>>) offsets(%arg8 : memref<1008xi32, #tpu.memory_space<vmem>>) semaphore(%arg12 : memref<!tpu.dma_semaphore, #tpu.memory_space<semaphore_mem>>)
      %dma_start3A_14 = arith.constant 0 : i32
      %dma_start3A_15 = arith.constant 0 : i32
      %dma_start3A_16 = tpu.memref_slice %arg3[%dma_start3A_14, %dma_start3A_15] : memref<10000x16xf32, #tpu.memory_space<hbm>> -> memref<10000x16xf32, #tpu.memory_space<hbm>>
      tpu.enqueue_indirect_dma source(%dma_start3A_16 : memref<10000x16xf32, #tpu.memory_space<hbm>>) target(%arg11 : memref<1008x16xf32, #tpu.memory_space<vmem>>) offsets(%arg10 : memref<1008xi32, #tpu.memory_space<vmem>>) semaphore(%arg13 : memref<!tpu.dma_semaphore, #tpu.memory_space<semaphore_mem>>)
      %dma_wait3A = arith.constant 0 : i32
      %dma_wait3A_17 = arith.constant 0 : i32
      %dma_wait3A_18 = tpu.memref_slice %arg2[%dma_wait3A, %dma_wait3A_17] : memref<10000x48xf32, #tpu.memory_space<hbm>> -> memref<10000x48xf32, #tpu.memory_space<hbm>>
      tpu.wait_indirect_dma semaphore(%arg12 : memref<!tpu.dma_semaphore, #tpu.memory_space<semaphore_mem>>) src(%dma_wait3A_18 : memref<10000x48xf32, #tpu.memory_space<hbm>>) dst(%arg9 : memref<1008x48xf32, #tpu.memory_space<vmem>>)
      %dma_wait3A_19 = arith.constant 0 : i32
      %dma_wait3A_20 = arith.constant 0 : i32
      %dma_wait3A_21 = tpu.memref_slice %arg3[%dma_wait3A_19, %dma_wait3A_20] : memref<10000x16xf32, #tpu.memory_space<hbm>> -> memref<10000x16xf32, #tpu.memory_space<hbm>>
      tpu.wait_indirect_dma semaphore(%arg13 : memref<!tpu.dma_semaphore, #tpu.memory_space<semaphore_mem>>) src(%dma_wait3A_21 : memref<10000x16xf32, #tpu.memory_space<hbm>>) dst(%arg11 : memref<1008x16xf32, #tpu.memory_space<vmem>>)
      "tpu.region"() ({
        %run_scoped3A = tpu.sem_alloc : memref<!tpu.dma_semaphore, #tpu.memory_space<semaphore_mem>>
        %dma_start3A_22 = arith.constant 0 : i32
        %dma_start3A_23 = tpu.memref_slice %arg6[%add3A_11, %dma_start3A_22] : memref<161280x48xf32, #tpu.memory_space<hbm>> -> memref<1008x48xf32, #tpu.memory_space<hbm>>
        %dma_start3A_24 = arith.constant 0 : i32
        %dma_start3A_25 = tpu.memref_slice %arg6[%add3A_11, %dma_start3A_24] : memref<161280x48xf32, #tpu.memory_space<hbm>> -> memref<1008x48xf32, #tpu.memory_space<hbm>>
        tpu.enqueue_dma source(%arg9 : memref<1008x48xf32, #tpu.memory_space<vmem>>) target(%dma_start3A_25 : memref<1008x48xf32, #tpu.memory_space<hbm>>) target_semaphore(%run_scoped3A : memref<!tpu.dma_semaphore, #tpu.memory_space<semaphore_mem>>)
        %dma_wait3A_26 = arith.constant 0 : i32
        %dma_wait3A_27 = tpu.memref_slice %arg6[%add3A_11, %dma_wait3A_26] : memref<161280x48xf32, #tpu.memory_space<hbm>> -> memref<1008x48xf32, #tpu.memory_space<hbm>>
        %dma_wait3A_28 = arith.constant 0 : i32
        %dma_wait3A_29 = tpu.memref_slice %arg6[%add3A_11, %dma_wait3A_28] : memref<161280x48xf32, #tpu.memory_space<hbm>> -> memref<1008x48xf32, #tpu.memory_space<hbm>>
        tpu.wait_dma2 semaphore(%run_scoped3A : memref<!tpu.dma_semaphore, #tpu.memory_space<semaphore_mem>>) src(%arg9 : memref<1008x48xf32, #tpu.memory_space<vmem>>) dst(%dma_wait3A_29 : memref<1008x48xf32, #tpu.memory_space<hbm>>)
        tpu.yield
      }) : () -> ()
      "tpu.region"() ({
        %run_scoped3A = tpu.sem_alloc : memref<!tpu.dma_semaphore, #tpu.memory_space<semaphore_mem>>
        %dma_start3A_22 = arith.constant 0 : i32
        %dma_start3A_23 = tpu.memref_slice %arg7[%add3A_11, %dma_start3A_22] : memref<161280x16xf32, #tpu.memory_space<hbm>> -> memref<1008x16xf32, #tpu.memory_space<hbm>>
        %dma_start3A_24 = arith.constant 0 : i32
        %dma_start3A_25 = tpu.memref_slice %arg7[%add3A_11, %dma_start3A_24] : memref<161280x16xf32, #tpu.memory_space<hbm>> -> memref<1008x16xf32, #tpu.memory_space<hbm>>
        tpu.enqueue_dma source(%arg11 : memref<1008x16xf32, #tpu.memory_space<vmem>>) target(%dma_start3A_25 : memref<1008x16xf32, #tpu.memory_space<hbm>>) target_semaphore(%run_scoped3A : memref<!tpu.dma_semaphore, #tpu.memory_space<semaphore_mem>>)
        %dma_wait3A_26 = arith.constant 0 : i32
        %dma_wait3A_27 = tpu.memref_slice %arg7[%add3A_11, %dma_wait3A_26] : memref<161280x16xf32, #tpu.memory_space<hbm>> -> memref<1008x16xf32, #tpu.memory_space<hbm>>
        %dma_wait3A_28 = arith.constant 0 : i32
        %dma_wait3A_29 = tpu.memref_slice %arg7[%add3A_11, %dma_wait3A_28] : memref<161280x16xf32, #tpu.memory_space<hbm>> -> memref<1008x16xf32, #tpu.memory_space<hbm>>
        tpu.wait_dma2 semaphore(%run_scoped3A : memref<!tpu.dma_semaphore, #tpu.memory_space<semaphore_mem>>) src(%arg11 : memref<1008x16xf32, #tpu.memory_space<vmem>>) dst(%dma_wait3A_29 : memref<1008x16xf32, #tpu.memory_space<hbm>>)
        tpu.yield
      }) : () -> ()
    }
    %scan3A_5 = arith.constant 5 : i32
    return
  }
}

#map = affine_map<(d0, d1) -> (0)>
#map1 = affine_map<(d0, d1) -> (0, 0)>
module attributes {stable_mosaic.version = 14 : i64} {
  func.func @_sc_segmax(%arg0: i32, %arg1: i32, %arg2: memref<161280xi32, #tpu.memory_space<hbm>>, %arg3: memref<161280xf32, #tpu.memory_space<hbm>>, %arg4: memref<2x10240xf32, #tpu.memory_space<hbm>>, %arg5: memref<10240xf32, #tpu.memory_space<vmem>>, %arg6: memref<1008xi32, #tpu.memory_space<vmem>>, %arg7: memref<1008xf32, #tpu.memory_space<vmem>>, %arg8: memref<16x10240xf32, #tpu.memory_space<vmem_shared>>, %arg9: memref<!tpu.dma_semaphore, #tpu.memory_space<semaphore_mem>>) attributes {dimension_semantics = [#tpu.dimension_semantics<core_parallel>, #tpu.dimension_semantics<subcore_parallel>], iteration_bounds = array<i64: 2, 16>, scalar_prefetch = 0 : i64, scratch_operands = 5 : i64, tpu.core_type = #tpu.core_type<sc_vector_subcore>, window_params = [{transform_indices = #map}, {transform_indices = #map}, {transform_indices = #map1}]} {
    %mul3A = arith.constant 2 : i32
    %mul3A_0 = arith.muli %arg1, %mul3A : i32
    %add3A = arith.addi %mul3A_0, %arg0 : i32
    %broadcast_in_dim3A = arith.constant -1.000000e+30 : f32
    %broadcast_in_dim3A_1 = vector.broadcast %broadcast_in_dim3A : f32 to vector<16xf32>
    %scan3A = arith.constant 0 : i32
    %scan3A_2 = arith.constant 0 : i32
    %scan3A_3 = arith.constant 640 : i32
    %scan3A_4 = arith.addi %scan3A_2, %scan3A_3 : i32
    %scan3A_5 = arith.constant 1 : i32
    scf.for %scan3A_21 = %scan3A_2 to %scan3A_4 step %scan3A_5  : i32 {
      %mul3A_22 = arith.constant 16 : i32
      %mul3A_23 = arith.muli %scan3A_21, %mul3A_22 : i32
      %swap3A = arith.index_cast %mul3A_23 : i32 to index
      %swap3A_24 = tpu.vector_load %arg5[%swap3A] {strides = array<i32>} : memref<10240xf32, #tpu.memory_space<vmem>>, vector<16xf32>,
      tpu.vector_store %arg5[%swap3A], %broadcast_in_dim3A_1 {strides = array<i32>} : memref<10240xf32, #tpu.memory_space<vmem>>, vector<16xf32>,
    }
    %scan3A_6 = arith.constant 640 : i32
    %scan3A_7 = arith.constant 0 : i32
    %scan3A_8 = arith.constant 0 : i32
    %scan3A_9 = arith.constant 5 : i32
    %scan3A_10 = arith.addi %scan3A_8, %scan3A_9 : i32
    %scan3A_11 = arith.constant 1 : i32
    scf.for %scan3A_21 = %scan3A_8 to %scan3A_10 step %scan3A_11  : i32 {
      %mul3A_22 = arith.constant 5040 : i32
      %mul3A_23 = arith.muli %add3A, %mul3A_22 : i32
      %mul3A_24 = arith.constant 1008 : i32
      %mul3A_25 = arith.muli %scan3A_21, %mul3A_24 : i32
      %add3A_26 = arith.addi %mul3A_23, %mul3A_25 : i32
      "tpu.region"() ({
        %run_scoped3A = tpu.sem_alloc : memref<!tpu.dma_semaphore, #tpu.memory_space<semaphore_mem>>
        %dma_start3A = tpu.memref_slice %arg2[%add3A_26] : memref<161280xi32, #tpu.memory_space<hbm>> -> memref<1008xi32, #tpu.memory_space<hbm>>
        %dma_start3A_33 = tpu.memref_slice %arg2[%add3A_26] : memref<161280xi32, #tpu.memory_space<hbm>> -> memref<1008xi32, #tpu.memory_space<hbm>>
        tpu.enqueue_dma source(%dma_start3A_33 : memref<1008xi32, #tpu.memory_space<hbm>>) target(%arg6 : memref<1008xi32, #tpu.memory_space<vmem>>) target_semaphore(%run_scoped3A : memref<!tpu.dma_semaphore, #tpu.memory_space<semaphore_mem>>)
        %dma_wait3A = tpu.memref_slice %arg2[%add3A_26] : memref<161280xi32, #tpu.memory_space<hbm>> -> memref<1008xi32, #tpu.memory_space<hbm>>
        %dma_wait3A_34 = tpu.memref_slice %arg2[%add3A_26] : memref<161280xi32, #tpu.memory_space<hbm>> -> memref<1008xi32, #tpu.memory_space<hbm>>
        tpu.wait_dma2 semaphore(%run_scoped3A : memref<!tpu.dma_semaphore, #tpu.memory_space<semaphore_mem>>) src(%dma_wait3A_34 : memref<1008xi32, #tpu.memory_space<hbm>>) dst(%arg6 : memref<1008xi32, #tpu.memory_space<vmem>>)
        tpu.yield
      }) : () -> ()
      "tpu.region"() ({
        %run_scoped3A = tpu.sem_alloc : memref<!tpu.dma_semaphore, #tpu.memory_space<semaphore_mem>>
        %dma_start3A = tpu.memref_slice %arg3[%add3A_26] : memref<161280xf32, #tpu.memory_space<hbm>> -> memref<1008xf32, #tpu.memory_space<hbm>>
        %dma_start3A_33 = tpu.memref_slice %arg3[%add3A_26] : memref<161280xf32, #tpu.memory_space<hbm>> -> memref<1008xf32, #tpu.memory_space<hbm>>
        tpu.enqueue_dma source(%dma_start3A_33 : memref<1008xf32, #tpu.memory_space<hbm>>) target(%arg7 : memref<1008xf32, #tpu.memory_space<vmem>>) target_semaphore(%run_scoped3A : memref<!tpu.dma_semaphore, #tpu.memory_space<semaphore_mem>>)
        %dma_wait3A = tpu.memref_slice %arg3[%add3A_26] : memref<161280xf32, #tpu.memory_space<hbm>> -> memref<1008xf32, #tpu.memory_space<hbm>>
        %dma_wait3A_34 = tpu.memref_slice %arg3[%add3A_26] : memref<161280xf32, #tpu.memory_space<hbm>> -> memref<1008xf32, #tpu.memory_space<hbm>>
        tpu.wait_dma2 semaphore(%run_scoped3A : memref<!tpu.dma_semaphore, #tpu.memory_space<semaphore_mem>>) src(%dma_wait3A_34 : memref<1008xf32, #tpu.memory_space<hbm>>) dst(%arg7 : memref<1008xf32, #tpu.memory_space<vmem>>)
        tpu.yield
      }) : () -> ()
      %scan3A_27 = arith.constant 0 : i32
      %scan3A_28 = arith.constant 0 : i32
      %scan3A_29 = arith.constant 63 : i32
      %scan3A_30 = arith.addi %scan3A_28, %scan3A_29 : i32
      %scan3A_31 = arith.constant 1 : i32
      scf.for %scan3A_33 = %scan3A_28 to %scan3A_30 step %scan3A_31  : i32 {
        %mul3A_34 = arith.constant 16 : i32
        %mul3A_35 = arith.muli %scan3A_33, %mul3A_34 : i32
        %get3A = arith.index_cast %mul3A_35 : i32 to index
        %get3A_36 = tpu.vector_load %arg6[%get3A] {strides = array<i32>} : memref<1008xi32, #tpu.memory_space<vmem>>, vector<16xi32>,
        %mul3A_37 = arith.constant 16 : i32
        %mul3A_38 = arith.muli %scan3A_33, %mul3A_37 : i32
        %get3A_39 = arith.index_cast %mul3A_38 : i32 to index
        %get3A_40 = tpu.vector_load %arg7[%get3A_39] {strides = array<i32>} : memref<1008xf32, #tpu.memory_space<vmem>>, vector<16xf32>,
        %masked_sort3A = arith.constant dense<true> : vector<16xi1>
        %masked_sort3A_41 = arith.constant -2147483648 : i32
        %masked_sort3A_42 = vector.broadcast %masked_sort3A_41 : i32 to vector<16xi32>
        %masked_sort3A_43 = arith.xori %get3A_36, %masked_sort3A_42 : vector<16xi32>
        %masked_sort3A_44, %masked_sort3A_45, %masked_sort3A_46 = tpu.sort %masked_sort3A_43, %get3A_40 masked %masked_sort3A : (vector<16xi32>, vector<16xf32>, vector<16xi1>) -> (vector<16xi1>, vector<16xi32>, vector<16xf32>)
        %masked_sort3A_47 = arith.xori %masked_sort3A_45, %masked_sort3A_42 : vector<16xi32>
        %iota3A = tpu.iota {dimensions = array<i32: 0>} : vector<16xi32>
        %sub3A = arith.constant 1 : i32
        %sub3A_48 = vector.broadcast %sub3A : i32 to vector<16xi32>
        %sub3A_49 = arith.subi %iota3A, %sub3A_48 : vector<16xi32>
        %max3A = arith.constant 0 : i32
        %max3A_50 = vector.broadcast %max3A : i32 to vector<16xi32>
        %max3A_51 = arith.maxsi %sub3A_49, %max3A_50 : vector<16xi32>
        %broadcast_in_dim3A_52 = vector.shape_cast %max3A_51 : vector<16xi32> to vector<16x1xi32>
        %gather3A = vector.shape_cast %broadcast_in_dim3A_52 : vector<16x1xi32> to vector<16xi32>
        %gather3A_53 = tpu.dynamic_gather %masked_sort3A_47[%gather3A] in [0] : vector<16xi32>, vector<16xi32> -> vector<16xi32>
        %broadcast_in_dim3A_54 = vector.shape_cast %max3A_51 : vector<16xi32> to vector<16x1xi32>
        %gather3A_55 = vector.shape_cast %broadcast_in_dim3A_54 : vector<16x1xi32> to vector<16xi32>
        %gather3A_56 = tpu.dynamic_gather %masked_sort3A_46[%gather3A_55] in [0] : vector<16xf32>, vector<16xi32> -> vector<16xf32>
        %eq3A = arith.cmpi eq, %gather3A_53, %masked_sort3A_47 : vector<16xi32>
        %ge3A = arith.constant 1 : i32
        %ge3A_57 = vector.broadcast %ge3A : i32 to vector<16xi32>
        %ge3A_58 = arith.cmpi sge, %iota3A, %ge3A_57 : vector<16xi32>
        %and3A = arith.andi %eq3A, %ge3A_58 : vector<16xi1>
        %max3A_59 = arith.maximumf %masked_sort3A_46, %gather3A_56 : vector<16xf32>
        %select_n3A = arith.select %and3A, %max3A_59, %masked_sort3A_46 : vector<16xi1>, vector<16xf32>
        %sub3A_60 = arith.constant 2 : i32
        %sub3A_61 = vector.broadcast %sub3A_60 : i32 to vector<16xi32>
        %sub3A_62 = arith.subi %iota3A, %sub3A_61 : vector<16xi32>
        %max3A_63 = arith.constant 0 : i32
        %max3A_64 = vector.broadcast %max3A_63 : i32 to vector<16xi32>
        %max3A_65 = arith.maxsi %sub3A_62, %max3A_64 : vector<16xi32>
        %broadcast_in_dim3A_66 = vector.shape_cast %max3A_65 : vector<16xi32> to vector<16x1xi32>
        %gather3A_67 = vector.shape_cast %broadcast_in_dim3A_66 : vector<16x1xi32> to vector<16xi32>
        %gather3A_68 = tpu.dynamic_gather %masked_sort3A_47[%gather3A_67] in [0] : vector<16xi32>, vector<16xi32> -> vector<16xi32>
        %broadcast_in_dim3A_69 = vector.shape_cast %max3A_65 : vector<16xi32> to vector<16x1xi32>
        %gather3A_70 = vector.shape_cast %broadcast_in_dim3A_69 : vector<16x1xi32> to vector<16xi32>
        %gather3A_71 = tpu.dynamic_gather %select_n3A[%gather3A_70] in [0] : vector<16xf32>, vector<16xi32> -> vector<16xf32>
        %eq3A_72 = arith.cmpi eq, %gather3A_68, %masked_sort3A_47 : vector<16xi32>
        %ge3A_73 = arith.constant 2 : i32
        %ge3A_74 = vector.broadcast %ge3A_73 : i32 to vector<16xi32>
        %ge3A_75 = arith.cmpi sge, %iota3A, %ge3A_74 : vector<16xi32>
        %and3A_76 = arith.andi %eq3A_72, %ge3A_75 : vector<16xi1>
        %max3A_77 = arith.maximumf %select_n3A, %gather3A_71 : vector<16xf32>
        %select_n3A_78 = arith.select %and3A_76, %max3A_77, %select_n3A : vector<16xi1>, vector<16xf32>
        %sub3A_79 = arith.constant 4 : i32
        %sub3A_80 = vector.broadcast %sub3A_79 : i32 to vector<16xi32>
        %sub3A_81 = arith.subi %iota3A, %sub3A_80 : vector<16xi32>
        %max3A_82 = arith.constant 0 : i32
        %max3A_83 = vector.broadcast %max3A_82 : i32 to vector<16xi32>
        %max3A_84 = arith.maxsi %sub3A_81, %max3A_83 : vector<16xi32>
        %broadcast_in_dim3A_85 = vector.shape_cast %max3A_84 : vector<16xi32> to vector<16x1xi32>
        %gather3A_86 = vector.shape_cast %broadcast_in_dim3A_85 : vector<16x1xi32> to vector<16xi32>
        %gather3A_87 = tpu.dynamic_gather %masked_sort3A_47[%gather3A_86] in [0] : vector<16xi32>, vector<16xi32> -> vector<16xi32>
        %broadcast_in_dim3A_88 = vector.shape_cast %max3A_84 : vector<16xi32> to vector<16x1xi32>
        %gather3A_89 = vector.shape_cast %broadcast_in_dim3A_88 : vector<16x1xi32> to vector<16xi32>
        %gather3A_90 = tpu.dynamic_gather %select_n3A_78[%gather3A_89] in [0] : vector<16xf32>, vector<16xi32> -> vector<16xf32>
        %eq3A_91 = arith.cmpi eq, %gather3A_87, %masked_sort3A_47 : vector<16xi32>
        %ge3A_92 = arith.constant 4 : i32
        %ge3A_93 = vector.broadcast %ge3A_92 : i32 to vector<16xi32>
        %ge3A_94 = arith.cmpi sge, %iota3A, %ge3A_93 : vector<16xi32>
        %and3A_95 = arith.andi %eq3A_91, %ge3A_94 : vector<16xi1>
        %max3A_96 = arith.maximumf %select_n3A_78, %gather3A_90 : vector<16xf32>
        %select_n3A_97 = arith.select %and3A_95, %max3A_96, %select_n3A_78 : vector<16xi1>, vector<16xf32>
        %sub3A_98 = arith.constant 8 : i32
        %sub3A_99 = vector.broadcast %sub3A_98 : i32 to vector<16xi32>
        %sub3A_100 = arith.subi %iota3A, %sub3A_99 : vector<16xi32>
        %max3A_101 = arith.constant 0 : i32
        %max3A_102 = vector.broadcast %max3A_101 : i32 to vector<16xi32>
        %max3A_103 = arith.maxsi %sub3A_100, %max3A_102 : vector<16xi32>
        %broadcast_in_dim3A_104 = vector.shape_cast %max3A_103 : vector<16xi32> to vector<16x1xi32>
        %gather3A_105 = vector.shape_cast %broadcast_in_dim3A_104 : vector<16x1xi32> to vector<16xi32>
        %gather3A_106 = tpu.dynamic_gather %masked_sort3A_47[%gather3A_105] in [0] : vector<16xi32>, vector<16xi32> -> vector<16xi32>
        %broadcast_in_dim3A_107 = vector.shape_cast %max3A_103 : vector<16xi32> to vector<16x1xi32>
        %gather3A_108 = vector.shape_cast %broadcast_in_dim3A_107 : vector<16x1xi32> to vector<16xi32>
        %gather3A_109 = tpu.dynamic_gather %select_n3A_97[%gather3A_108] in [0] : vector<16xf32>, vector<16xi32> -> vector<16xf32>
        %eq3A_110 = arith.cmpi eq, %gather3A_106, %masked_sort3A_47 : vector<16xi32>
        %ge3A_111 = arith.constant 8 : i32
        %ge3A_112 = vector.broadcast %ge3A_111 : i32 to vector<16xi32>
        %ge3A_113 = arith.cmpi sge, %iota3A, %ge3A_112 : vector<16xi32>
        %and3A_114 = arith.andi %eq3A_110, %ge3A_113 : vector<16xi1>
        %max3A_115 = arith.maximumf %select_n3A_97, %gather3A_109 : vector<16xf32>
        %select_n3A_116 = arith.select %and3A_114, %max3A_115, %select_n3A_97 : vector<16xi1>, vector<16xf32>
        %add3A_117 = arith.constant 1 : i32
        %add3A_118 = vector.broadcast %add3A_117 : i32 to vector<16xi32>
        %add3A_119 = arith.addi %iota3A, %add3A_118 : vector<16xi32>
        %min3A = arith.constant 15 : i32
        %min3A_120 = vector.broadcast %min3A : i32 to vector<16xi32>
        %min3A_121 = arith.minsi %add3A_119, %min3A_120 : vector<16xi32>
        %broadcast_in_dim3A_122 = vector.shape_cast %min3A_121 : vector<16xi32> to vector<16x1xi32>
        %gather3A_123 = vector.shape_cast %broadcast_in_dim3A_122 : vector<16x1xi32> to vector<16xi32>
        %gather3A_124 = tpu.dynamic_gather %masked_sort3A_47[%gather3A_123] in [0] : vector<16xi32>, vector<16xi32> -> vector<16xi32>
        %eq3A_125 = arith.constant 15 : i32
        %eq3A_126 = vector.broadcast %eq3A_125 : i32 to vector<16xi32>
        %eq3A_127 = arith.cmpi eq, %iota3A, %eq3A_126 : vector<16xi32>
        %ne3A = arith.cmpi ne, %gather3A_124, %masked_sort3A_47 : vector<16xi32>
        %or3A = arith.ori %eq3A_127, %ne3A : vector<16xi1>
        %gather3A_128 = tpu.vector_load_idx %arg5[%masked_sort3A_47] : memref<10240xf32, #tpu.memory_space<vmem>>[vector<16xi32>], vector<16xf32>,
        %max3A_129 = arith.maximumf %gather3A_128, %select_n3A_116 : vector<16xf32>
        tpu.vector_store_idx %arg5[%masked_sort3A_47], %max3A_129 masked %or3A : memref<10240xf32, #tpu.memory_space<vmem>>[vector<16xi32>], vector<16xf32>, vector<16xi1>
      }
      %scan3A_32 = arith.constant 63 : i32
    }
    %scan3A_12 = arith.constant 5 : i32
    "tpu.region"() ({
      %run_scoped3A = tpu.sem_alloc : memref<!tpu.dma_semaphore, #tpu.memory_space<semaphore_mem>>
      %dma_start3A = arith.constant 0 : i32
      %dma_start3A_21 = tpu.memref_slice %arg8[%arg1, %dma_start3A] : memref<16x10240xf32, #tpu.memory_space<vmem_shared>> -> memref<1x10240xf32, #tpu.memory_space<vmem_shared>>
      %dma_start3A_22 = tpu.memref_squeeze %dma_start3A_21 : memref<1x10240xf32, #tpu.memory_space<vmem_shared>> -> memref<10240xf32, #tpu.memory_space<vmem_shared>>
      %dma_start3A_23 = arith.constant 0 : i32
      %dma_start3A_24 = tpu.memref_slice %arg8[%arg1, %dma_start3A_23] : memref<16x10240xf32, #tpu.memory_space<vmem_shared>> -> memref<1x10240xf32, #tpu.memory_space<vmem_shared>>
      %dma_start3A_25 = tpu.memref_squeeze %dma_start3A_24 : memref<1x10240xf32, #tpu.memory_space<vmem_shared>> -> memref<10240xf32, #tpu.memory_space<vmem_shared>>
      tpu.enqueue_dma source(%arg5 : memref<10240xf32, #tpu.memory_space<vmem>>) target(%dma_start3A_25 : memref<10240xf32, #tpu.memory_space<vmem_shared>>) target_semaphore(%run_scoped3A : memref<!tpu.dma_semaphore, #tpu.memory_space<semaphore_mem>>)
      %dma_wait3A = arith.constant 0 : i32
      %dma_wait3A_26 = tpu.memref_slice %arg8[%arg1, %dma_wait3A] : memref<16x10240xf32, #tpu.memory_space<vmem_shared>> -> memref<1x10240xf32, #tpu.memory_space<vmem_shared>>
      %dma_wait3A_27 = tpu.memref_squeeze %dma_wait3A_26 : memref<1x10240xf32, #tpu.memory_space<vmem_shared>> -> memref<10240xf32, #tpu.memory_space<vmem_shared>>
      %dma_wait3A_28 = arith.constant 0 : i32
      %dma_wait3A_29 = tpu.memref_slice %arg8[%arg1, %dma_wait3A_28] : memref<16x10240xf32, #tpu.memory_space<vmem_shared>> -> memref<1x10240xf32, #tpu.memory_space<vmem_shared>>
      %dma_wait3A_30 = tpu.memref_squeeze %dma_wait3A_29 : memref<1x10240xf32, #tpu.memory_space<vmem_shared>> -> memref<10240xf32, #tpu.memory_space<vmem_shared>>
      tpu.wait_dma2 semaphore(%run_scoped3A : memref<!tpu.dma_semaphore, #tpu.memory_space<semaphore_mem>>) src(%arg5 : memref<10240xf32, #tpu.memory_space<vmem>>) dst(%dma_wait3A_30 : memref<10240xf32, #tpu.memory_space<vmem_shared>>)
      tpu.yield
    }) : () -> ()
    %barrier3A = arith.constant 0 : index
    tpu.barrier barrier_id(%barrier3A)
    %mul3A_13 = arith.constant 640 : i32
    %mul3A_14 = arith.muli %arg1, %mul3A_13 : i32
    %scan3A_15 = arith.constant 0 : i32
    %scan3A_16 = arith.constant 0 : i32
    %scan3A_17 = arith.constant 16 : i32
    %scan3A_18 = arith.addi %scan3A_16, %scan3A_17 : i32
    %scan3A_19 = arith.constant 1 : i32
    scf.for %scan3A_21 = %scan3A_16 to %scan3A_18 step %scan3A_19  : i32 {
      "tpu.region"() ({
        %run_scoped3A = tpu.sem_alloc : memref<!tpu.dma_semaphore, #tpu.memory_space<semaphore_mem>>
        %dma_start3A = arith.constant 0 : i32
        %dma_start3A_28 = tpu.memref_slice %arg7[%dma_start3A] : memref<1008xf32, #tpu.memory_space<vmem>> -> memref<640xf32, #tpu.memory_space<vmem>>
        %dma_start3A_29 = tpu.memref_slice %arg8[%scan3A_21, %mul3A_14] : memref<16x10240xf32, #tpu.memory_space<vmem_shared>> -> memref<1x640xf32, #tpu.memory_space<vmem_shared>>
        %dma_start3A_30 = tpu.memref_squeeze %dma_start3A_29 : memref<1x640xf32, #tpu.memory_space<vmem_shared>> -> memref<640xf32, #tpu.memory_space<vmem_shared>>
        %dma_start3A_31 = arith.constant 0 : i32
        %dma_start3A_32 = tpu.memref_slice %arg7[%dma_start3A_31] : memref<1008xf32, #tpu.memory_space<vmem>> -> memref<640xf32, #tpu.memory_space<vmem>>
        %dma_start3A_33 = tpu.memref_slice %arg8[%scan3A_21, %mul3A_14] : memref<16x10240xf32, #tpu.memory_space<vmem_shared>> -> memref<1x640xf32, #tpu.memory_space<vmem_shared>>
        %dma_start3A_34 = tpu.memref_squeeze %dma_start3A_33 : memref<1x640xf32, #tpu.memory_space<vmem_shared>> -> memref<640xf32, #tpu.memory_space<vmem_shared>>
        tpu.enqueue_dma source(%dma_start3A_34 : memref<640xf32, #tpu.memory_space<vmem_shared>>) target(%dma_start3A_32 : memref<640xf32, #tpu.memory_space<vmem>>) target_semaphore(%run_scoped3A : memref<!tpu.dma_semaphore, #tpu.memory_space<semaphore_mem>>)
        %dma_wait3A = arith.constant 0 : i32
        %dma_wait3A_35 = tpu.memref_slice %arg7[%dma_wait3A] : memref<1008xf32, #tpu.memory_space<vmem>> -> memref<640xf32, #tpu.memory_space<vmem>>
        %dma_wait3A_36 = tpu.memref_slice %arg8[%scan3A_21, %mul3A_14] : memref<16x10240xf32, #tpu.memory_space<vmem_shared>> -> memref<1x640xf32, #tpu.memory_space<vmem_shared>>
        %dma_wait3A_37 = tpu.memref_squeeze %dma_wait3A_36 : memref<1x640xf32, #tpu.memory_space<vmem_shared>> -> memref<640xf32, #tpu.memory_space<vmem_shared>>
        %dma_wait3A_38 = arith.constant 0 : i32
        %dma_wait3A_39 = tpu.memref_slice %arg7[%dma_wait3A_38] : memref<1008xf32, #tpu.memory_space<vmem>> -> memref<640xf32, #tpu.memory_space<vmem>>
        %dma_wait3A_40 = tpu.memref_slice %arg8[%scan3A_21, %mul3A_14] : memref<16x10240xf32, #tpu.memory_space<vmem_shared>> -> memref<1x640xf32, #tpu.memory_space<vmem_shared>>
        %dma_wait3A_41 = tpu.memref_squeeze %dma_wait3A_40 : memref<1x640xf32, #tpu.memory_space<vmem_shared>> -> memref<640xf32, #tpu.memory_space<vmem_shared>>
        tpu.wait_dma2 semaphore(%run_scoped3A : memref<!tpu.dma_semaphore, #tpu.memory_space<semaphore_mem>>) src(%dma_wait3A_41 : memref<640xf32, #tpu.memory_space<vmem_shared>>) dst(%dma_wait3A_39 : memref<640xf32, #tpu.memory_space<vmem>>)
        tpu.yield
      }) : () -> ()
      %scan3A_22 = arith.constant 0 : i32
      %scan3A_23 = arith.constant 0 : i32
      %scan3A_24 = arith.constant 40 : i32
      %scan3A_25 = arith.addi %scan3A_23, %scan3A_24 : i32
      %scan3A_26 = arith.constant 1 : i32
      scf.for %scan3A_28 = %scan3A_23 to %scan3A_25 step %scan3A_26  : i32 {
        %mul3A_29 = arith.constant 16 : i32
        %mul3A_30 = arith.muli %scan3A_28, %mul3A_29 : i32
        %add3A_31 = arith.addi %mul3A_14, %mul3A_30 : i32
        %get3A = arith.index_cast %add3A_31 : i32 to index
        %get3A_32 = tpu.vector_load %arg5[%get3A] {strides = array<i32>} : memref<10240xf32, #tpu.memory_space<vmem>>, vector<16xf32>,
        %mul3A_33 = arith.constant 16 : i32
        %mul3A_34 = arith.muli %scan3A_28, %mul3A_33 : i32
        %get3A_35 = arith.index_cast %mul3A_34 : i32 to index
        %get3A_36 = tpu.vector_load %arg7[%get3A_35] {strides = array<i32>} : memref<1008xf32, #tpu.memory_space<vmem>>, vector<16xf32>,
        %max3A = arith.maximumf %get3A_32, %get3A_36 : vector<16xf32>
        %swap3A = arith.index_cast %add3A_31 : i32 to index
        %swap3A_37 = tpu.vector_load %arg5[%swap3A] {strides = array<i32>} : memref<10240xf32, #tpu.memory_space<vmem>>, vector<16xf32>,
        tpu.vector_store %arg5[%swap3A], %max3A {strides = array<i32>} : memref<10240xf32, #tpu.memory_space<vmem>>, vector<16xf32>,
      }
      %scan3A_27 = arith.constant 40 : i32
    }
    %scan3A_20 = arith.constant 16 : i32
    "tpu.region"() ({
      %run_scoped3A = tpu.sem_alloc : memref<!tpu.dma_semaphore, #tpu.memory_space<semaphore_mem>>
      %dma_start3A = tpu.memref_slice %arg5[%mul3A_14] : memref<10240xf32, #tpu.memory_space<vmem>> -> memref<640xf32, #tpu.memory_space<vmem>>
      %dma_start3A_21 = tpu.memref_slice %arg4[%arg0, %mul3A_14] : memref<2x10240xf32, #tpu.memory_space<hbm>> -> memref<1x640xf32, #tpu.memory_space<hbm>>
      %dma_start3A_22 = tpu.memref_squeeze %dma_start3A_21 : memref<1x640xf32, #tpu.memory_space<hbm>> -> memref<640xf32, #tpu.memory_space<hbm>>
      %dma_start3A_23 = tpu.memref_slice %arg4[%arg0, %mul3A_14] : memref<2x10240xf32, #tpu.memory_space<hbm>> -> memref<1x640xf32, #tpu.memory_space<hbm>>
      %dma_start3A_24 = tpu.memref_squeeze %dma_start3A_23 : memref<1x640xf32, #tpu.memory_space<hbm>> -> memref<640xf32, #tpu.memory_space<hbm>>
      %dma_start3A_25 = tpu.memref_slice %arg5[%mul3A_14] : memref<10240xf32, #tpu.memory_space<vmem>> -> memref<640xf32, #tpu.memory_space<vmem>>
      tpu.enqueue_dma source(%dma_start3A_25 : memref<640xf32, #tpu.memory_space<vmem>>) target(%dma_start3A_24 : memref<640xf32, #tpu.memory_space<hbm>>) target_semaphore(%run_scoped3A : memref<!tpu.dma_semaphore, #tpu.memory_space<semaphore_mem>>)
      %dma_wait3A = tpu.memref_slice %arg5[%mul3A_14] : memref<10240xf32, #tpu.memory_space<vmem>> -> memref<640xf32, #tpu.memory_space<vmem>>
      %dma_wait3A_26 = tpu.memref_slice %arg4[%arg0, %mul3A_14] : memref<2x10240xf32, #tpu.memory_space<hbm>> -> memref<1x640xf32, #tpu.memory_space<hbm>>
      %dma_wait3A_27 = tpu.memref_squeeze %dma_wait3A_26 : memref<1x640xf32, #tpu.memory_space<hbm>> -> memref<640xf32, #tpu.memory_space<hbm>>
      %dma_wait3A_28 = tpu.memref_slice %arg4[%arg0, %mul3A_14] : memref<2x10240xf32, #tpu.memory_space<hbm>> -> memref<1x640xf32, #tpu.memory_space<hbm>>
      %dma_wait3A_29 = tpu.memref_squeeze %dma_wait3A_28 : memref<1x640xf32, #tpu.memory_space<hbm>> -> memref<640xf32, #tpu.memory_space<hbm>>
      %dma_wait3A_30 = tpu.memref_slice %arg5[%mul3A_14] : memref<10240xf32, #tpu.memory_space<vmem>> -> memref<640xf32, #tpu.memory_space<vmem>>
      tpu.wait_dma2 semaphore(%run_scoped3A : memref<!tpu.dma_semaphore, #tpu.memory_space<semaphore_mem>>) src(%dma_wait3A_30 : memref<640xf32, #tpu.memory_space<vmem>>) dst(%dma_wait3A_29 : memref<640xf32, #tpu.memory_space<hbm>>)
      tpu.yield
    }) : () -> ()
    return
  }
}

#map = affine_map<(d0, d1) -> (0)>
#map1 = affine_map<(d0, d1) -> (0, 0)>
#map2 = affine_map<(d0, d1) -> (0, 0, 0)>
module attributes {stable_mosaic.version = 14 : i64} {
  func.func @_sc_scatter_add(%arg0: i32, %arg1: i32, %arg2: memref<161280xi32, #tpu.memory_space<hbm>>, %arg3: memref<161280xf32, #tpu.memory_space<hbm>>, %arg4: memref<8x161280xf32, #tpu.memory_space<hbm>>, %arg5: memref<2x10240xf32, #tpu.memory_space<hbm>>, %arg6: memref<640x16xf32, #tpu.memory_space<hbm>>, %arg7: memref<2x10240x16xf32, #tpu.memory_space<hbm>>, %arg8: memref<10240xf32, #tpu.memory_space<vmem>>, %arg9: memref<10240xf32, #tpu.memory_space<vmem>>, %arg10: memref<80xi32, #tpu.memory_space<vmem>>, %arg11: memref<80xf32, #tpu.memory_space<vmem>>, %arg12: memref<8x80xf32, #tpu.memory_space<vmem>>, %arg13: memref<80x16xf32, #tpu.memory_space<vmem>>, %arg14: memref<640x16xf32, #tpu.memory_space<vmem>>, %arg15: memref<10240x16xf32, #tpu.memory_space<vmem_shared>>, %arg16: memref<!tpu.dma_semaphore, #tpu.memory_space<semaphore_mem>>) attributes {dimension_semantics = [#tpu.dimension_semantics<core_parallel>, #tpu.dimension_semantics<subcore_parallel>], iteration_bounds = array<i64: 2, 16>, scalar_prefetch = 0 : i64, scratch_operands = 9 : i64, tpu.core_type = #tpu.core_type<sc_vector_subcore>, window_params = [{transform_indices = #map}, {transform_indices = #map}, {transform_indices = #map1}, {transform_indices = #map1}, {transform_indices = #map1}, {transform_indices = #map2}]} {
    %mul3A = arith.constant 2 : i32
    %mul3A_0 = arith.muli %arg1, %mul3A : i32
    %add3A = arith.addi %mul3A_0, %arg0 : i32
    %iota3A = tpu.iota {dimensions = array<i32: 0>} : vector<16xi32>
    %run_scoped3A = arith.constant 0 : i32
    "tpu.region"() ({
      %run_scoped3A_18 = tpu.sem_alloc : memref<!tpu.dma_semaphore, #tpu.memory_space<semaphore_mem>>
      %dma_start3A = arith.constant 0 : i32
      %dma_start3A_19 = tpu.memref_slice %arg5[%run_scoped3A, %dma_start3A] : memref<2x10240xf32, #tpu.memory_space<hbm>> -> memref<1x10240xf32, #tpu.memory_space<hbm>>
      %dma_start3A_20 = tpu.memref_squeeze %dma_start3A_19 : memref<1x10240xf32, #tpu.memory_space<hbm>> -> memref<10240xf32, #tpu.memory_space<hbm>>
      %dma_start3A_21 = arith.constant 0 : i32
      %dma_start3A_22 = tpu.memref_slice %arg5[%run_scoped3A, %dma_start3A_21] : memref<2x10240xf32, #tpu.memory_space<hbm>> -> memref<1x10240xf32, #tpu.memory_space<hbm>>
      %dma_start3A_23 = tpu.memref_squeeze %dma_start3A_22 : memref<1x10240xf32, #tpu.memory_space<hbm>> -> memref<10240xf32, #tpu.memory_space<hbm>>
      tpu.enqueue_dma source(%dma_start3A_23 : memref<10240xf32, #tpu.memory_space<hbm>>) target(%arg8 : memref<10240xf32, #tpu.memory_space<vmem>>) target_semaphore(%run_scoped3A_18 : memref<!tpu.dma_semaphore, #tpu.memory_space<semaphore_mem>>)
      %dma_wait3A = arith.constant 0 : i32
      %dma_wait3A_24 = tpu.memref_slice %arg5[%run_scoped3A, %dma_wait3A] : memref<2x10240xf32, #tpu.memory_space<hbm>> -> memref<1x10240xf32, #tpu.memory_space<hbm>>
      %dma_wait3A_25 = tpu.memref_squeeze %dma_wait3A_24 : memref<1x10240xf32, #tpu.memory_space<hbm>> -> memref<10240xf32, #tpu.memory_space<hbm>>
      %dma_wait3A_26 = arith.constant 0 : i32
      %dma_wait3A_27 = tpu.memref_slice %arg5[%run_scoped3A, %dma_wait3A_26] : memref<2x10240xf32, #tpu.memory_space<hbm>> -> memref<1x10240xf32, #tpu.memory_space<hbm>>
      %dma_wait3A_28 = tpu.memref_squeeze %dma_wait3A_27 : memref<1x10240xf32, #tpu.memory_space<hbm>> -> memref<10240xf32, #tpu.memory_space<hbm>>
      tpu.wait_dma2 semaphore(%run_scoped3A_18 : memref<!tpu.dma_semaphore, #tpu.memory_space<semaphore_mem>>) src(%dma_wait3A_28 : memref<10240xf32, #tpu.memory_space<hbm>>) dst(%arg8 : memref<10240xf32, #tpu.memory_space<vmem>>)
      tpu.yield
    }) : () -> ()
    %run_scoped3A_1 = arith.constant 1 : i32
    "tpu.region"() ({
      %run_scoped3A_18 = tpu.sem_alloc : memref<!tpu.dma_semaphore, #tpu.memory_space<semaphore_mem>>
      %dma_start3A = arith.constant 0 : i32
      %dma_start3A_19 = tpu.memref_slice %arg5[%run_scoped3A_1, %dma_start3A] : memref<2x10240xf32, #tpu.memory_space<hbm>> -> memref<1x10240xf32, #tpu.memory_space<hbm>>
      %dma_start3A_20 = tpu.memref_squeeze %dma_start3A_19 : memref<1x10240xf32, #tpu.memory_space<hbm>> -> memref<10240xf32, #tpu.memory_space<hbm>>
      %dma_start3A_21 = arith.constant 0 : i32
      %dma_start3A_22 = tpu.memref_slice %arg5[%run_scoped3A_1, %dma_start3A_21] : memref<2x10240xf32, #tpu.memory_space<hbm>> -> memref<1x10240xf32, #tpu.memory_space<hbm>>
      %dma_start3A_23 = tpu.memref_squeeze %dma_start3A_22 : memref<1x10240xf32, #tpu.memory_space<hbm>> -> memref<10240xf32, #tpu.memory_space<hbm>>
      tpu.enqueue_dma source(%dma_start3A_23 : memref<10240xf32, #tpu.memory_space<hbm>>) target(%arg9 : memref<10240xf32, #tpu.memory_space<vmem>>) target_semaphore(%run_scoped3A_18 : memref<!tpu.dma_semaphore, #tpu.memory_space<semaphore_mem>>)
      %dma_wait3A = arith.constant 0 : i32
      %dma_wait3A_24 = tpu.memref_slice %arg5[%run_scoped3A_1, %dma_wait3A] : memref<2x10240xf32, #tpu.memory_space<hbm>> -> memref<1x10240xf32, #tpu.memory_space<hbm>>
      %dma_wait3A_25 = tpu.memref_squeeze %dma_wait3A_24 : memref<1x10240xf32, #tpu.memory_space<hbm>> -> memref<10240xf32, #tpu.memory_space<hbm>>
      %dma_wait3A_26 = arith.constant 0 : i32
      %dma_wait3A_27 = tpu.memref_slice %arg5[%run_scoped3A_1, %dma_wait3A_26] : memref<2x10240xf32, #tpu.memory_space<hbm>> -> memref<1x10240xf32, #tpu.memory_space<hbm>>
      %dma_wait3A_28 = tpu.memref_squeeze %dma_wait3A_27 : memref<1x10240xf32, #tpu.memory_space<hbm>> -> memref<10240xf32, #tpu.memory_space<hbm>>
      tpu.wait_dma2 semaphore(%run_scoped3A_18 : memref<!tpu.dma_semaphore, #tpu.memory_space<semaphore_mem>>) src(%dma_wait3A_28 : memref<10240xf32, #tpu.memory_space<hbm>>) dst(%arg9 : memref<10240xf32, #tpu.memory_space<vmem>>)
      tpu.yield
    }) : () -> ()
    %scan3A = arith.constant 0 : i32
    %scan3A_2 = arith.constant 0 : i32
    %scan3A_3 = arith.constant 640 : i32
    %scan3A_4 = arith.addi %scan3A_2, %scan3A_3 : i32
    %scan3A_5 = arith.constant 1 : i32
    scf.for %scan3A_18 = %scan3A_2 to %scan3A_4 step %scan3A_5  : i32 {
      %mul3A_19 = arith.constant 16 : i32
      %mul3A_20 = arith.muli %scan3A_18, %mul3A_19 : i32
      %get3A = arith.index_cast %mul3A_20 : i32 to index
      %get3A_21 = tpu.vector_load %arg8[%get3A] {strides = array<i32>} : memref<10240xf32, #tpu.memory_space<vmem>>, vector<16xf32>,
      %get3A_22 = arith.index_cast %mul3A_20 : i32 to index
      %get3A_23 = tpu.vector_load %arg9[%get3A_22] {strides = array<i32>} : memref<10240xf32, #tpu.memory_space<vmem>>, vector<16xf32>,
      %max3A = arith.maximumf %get3A_21, %get3A_23 : vector<16xf32>
      %swap3A = arith.index_cast %mul3A_20 : i32 to index
      %swap3A_24 = tpu.vector_load %arg8[%swap3A] {strides = array<i32>} : memref<10240xf32, #tpu.memory_space<vmem>>, vector<16xf32>,
      tpu.vector_store %arg8[%swap3A], %max3A {strides = array<i32>} : memref<10240xf32, #tpu.memory_space<vmem>>, vector<16xf32>,
    }
    %scan3A_6 = arith.constant 640 : i32
    "tpu.region"() ({
      %run_scoped3A_18 = tpu.sem_alloc : memref<!tpu.dma_semaphore, #tpu.memory_space<semaphore_mem>>
      %dma_start3A = arith.constant 0 : i32
      %dma_start3A_19 = arith.constant 0 : i32
      %dma_start3A_20 = tpu.memref_slice %arg6[%dma_start3A, %dma_start3A_19] : memref<640x16xf32, #tpu.memory_space<hbm>> -> memref<80x16xf32, #tpu.memory_space<hbm>>
      %dma_start3A_21 = arith.constant 0 : i32
      %dma_start3A_22 = arith.constant 0 : i32
      %dma_start3A_23 = tpu.memref_slice %arg6[%dma_start3A_21, %dma_start3A_22] : memref<640x16xf32, #tpu.memory_space<hbm>> -> memref<80x16xf32, #tpu.memory_space<hbm>>
      tpu.enqueue_dma source(%dma_start3A_23 : memref<80x16xf32, #tpu.memory_space<hbm>>) target(%arg13 : memref<80x16xf32, #tpu.memory_space<vmem>>) target_semaphore(%run_scoped3A_18 : memref<!tpu.dma_semaphore, #tpu.memory_space<semaphore_mem>>)
      %dma_wait3A = arith.constant 0 : i32
      %dma_wait3A_24 = arith.constant 0 : i32
      %dma_wait3A_25 = tpu.memref_slice %arg6[%dma_wait3A, %dma_wait3A_24] : memref<640x16xf32, #tpu.memory_space<hbm>> -> memref<80x16xf32, #tpu.memory_space<hbm>>
      %dma_wait3A_26 = arith.constant 0 : i32
      %dma_wait3A_27 = arith.constant 0 : i32
      %dma_wait3A_28 = tpu.memref_slice %arg6[%dma_wait3A_26, %dma_wait3A_27] : memref<640x16xf32, #tpu.memory_space<hbm>> -> memref<80x16xf32, #tpu.memory_space<hbm>>
      tpu.wait_dma2 semaphore(%run_scoped3A_18 : memref<!tpu.dma_semaphore, #tpu.memory_space<semaphore_mem>>) src(%dma_wait3A_28 : memref<80x16xf32, #tpu.memory_space<hbm>>) dst(%arg13 : memref<80x16xf32, #tpu.memory_space<vmem>>)
      tpu.yield
    }) : () -> ()
    %mul3A_7 = arith.constant 640 : i32
    %mul3A_8 = arith.muli %arg1, %mul3A_7 : i32
    "tpu.region"() ({
      %run_scoped3A_18 = tpu.sem_alloc : memref<!tpu.dma_semaphore, #tpu.memory_space<semaphore_mem>>
      %dma_start3A = arith.constant 0 : i32
      %dma_start3A_19 = tpu.memref_slice %arg15[%mul3A_8, %dma_start3A] : memref<10240x16xf32, #tpu.memory_space<vmem_shared>> -> memref<640x16xf32, #tpu.memory_space<vmem_shared>>
      tpu.enqueue_dma source(%arg6 : memref<640x16xf32, #tpu.memory_space<hbm>>) target(%dma_start3A_19 : memref<640x16xf32, #tpu.memory_space<vmem_shared>>) target_semaphore(%run_scoped3A_18 : memref<!tpu.dma_semaphore, #tpu.memory_space<semaphore_mem>>)
      %dma_wait3A = arith.constant 0 : i32
      %dma_wait3A_20 = tpu.memref_slice %arg15[%mul3A_8, %dma_wait3A] : memref<10240x16xf32, #tpu.memory_space<vmem_shared>> -> memref<640x16xf32, #tpu.memory_space<vmem_shared>>
      tpu.wait_dma2 semaphore(%run_scoped3A_18 : memref<!tpu.dma_semaphore, #tpu.memory_space<semaphore_mem>>) src(%arg6 : memref<640x16xf32, #tpu.memory_space<hbm>>) dst(%dma_wait3A_20 : memref<640x16xf32, #tpu.memory_space<vmem_shared>>)
      tpu.yield
    }) : () -> ()
    %barrier3A = arith.constant 0 : index
    tpu.barrier barrier_id(%barrier3A)
    %scan3A_9 = arith.constant 0 : i32
    %scan3A_10 = arith.constant 0 : i32
    %scan3A_11 = arith.constant 63 : i32
    %scan3A_12 = arith.addi %scan3A_10, %scan3A_11 : i32
    %scan3A_13 = arith.constant 1 : i32
    scf.for %scan3A_18 = %scan3A_10 to %scan3A_12 step %scan3A_13  : i32 {
      %mul3A_19 = arith.constant 5040 : i32
      %mul3A_20 = arith.muli %add3A, %mul3A_19 : i32
      %mul3A_21 = arith.constant 80 : i32
      %mul3A_22 = arith.muli %scan3A_18, %mul3A_21 : i32
      %add3A_23 = arith.addi %mul3A_20, %mul3A_22 : i32
      "tpu.region"() ({
        %run_scoped3A_46 = tpu.sem_alloc : memref<!tpu.dma_semaphore, #tpu.memory_space<semaphore_mem>>
        %dma_start3A = tpu.memref_slice %arg2[%add3A_23] : memref<161280xi32, #tpu.memory_space<hbm>> -> memref<80xi32, #tpu.memory_space<hbm>>
        %dma_start3A_47 = tpu.memref_slice %arg2[%add3A_23] : memref<161280xi32, #tpu.memory_space<hbm>> -> memref<80xi32, #tpu.memory_space<hbm>>
        tpu.enqueue_dma source(%dma_start3A_47 : memref<80xi32, #tpu.memory_space<hbm>>) target(%arg10 : memref<80xi32, #tpu.memory_space<vmem>>) target_semaphore(%run_scoped3A_46 : memref<!tpu.dma_semaphore, #tpu.memory_space<semaphore_mem>>)
        %dma_wait3A = tpu.memref_slice %arg2[%add3A_23] : memref<161280xi32, #tpu.memory_space<hbm>> -> memref<80xi32, #tpu.memory_space<hbm>>
        %dma_wait3A_48 = tpu.memref_slice %arg2[%add3A_23] : memref<161280xi32, #tpu.memory_space<hbm>> -> memref<80xi32, #tpu.memory_space<hbm>>
        tpu.wait_dma2 semaphore(%run_scoped3A_46 : memref<!tpu.dma_semaphore, #tpu.memory_space<semaphore_mem>>) src(%dma_wait3A_48 : memref<80xi32, #tpu.memory_space<hbm>>) dst(%arg10 : memref<80xi32, #tpu.memory_space<vmem>>)
        tpu.yield
      }) : () -> ()
      "tpu.region"() ({
        %run_scoped3A_46 = tpu.sem_alloc : memref<!tpu.dma_semaphore, #tpu.memory_space<semaphore_mem>>
        %dma_start3A = tpu.memref_slice %arg3[%add3A_23] : memref<161280xf32, #tpu.memory_space<hbm>> -> memref<80xf32, #tpu.memory_space<hbm>>
        %dma_start3A_47 = tpu.memref_slice %arg3[%add3A_23] : memref<161280xf32, #tpu.memory_space<hbm>> -> memref<80xf32, #tpu.memory_space<hbm>>
        tpu.enqueue_dma source(%dma_start3A_47 : memref<80xf32, #tpu.memory_space<hbm>>) target(%arg11 : memref<80xf32, #tpu.memory_space<vmem>>) target_semaphore(%run_scoped3A_46 : memref<!tpu.dma_semaphore, #tpu.memory_space<semaphore_mem>>)
        %dma_wait3A = tpu.memref_slice %arg3[%add3A_23] : memref<161280xf32, #tpu.memory_space<hbm>> -> memref<80xf32, #tpu.memory_space<hbm>>
        %dma_wait3A_48 = tpu.memref_slice %arg3[%add3A_23] : memref<161280xf32, #tpu.memory_space<hbm>> -> memref<80xf32, #tpu.memory_space<hbm>>
        tpu.wait_dma2 semaphore(%run_scoped3A_46 : memref<!tpu.dma_semaphore, #tpu.memory_space<semaphore_mem>>) src(%dma_wait3A_48 : memref<80xf32, #tpu.memory_space<hbm>>) dst(%arg11 : memref<80xf32, #tpu.memory_space<vmem>>)
        tpu.yield
      }) : () -> ()
      %run_scoped3A_24 = arith.constant 0 : i32
      %run_scoped3A_25 = arith.constant 0 : i32
      "tpu.region"() ({
        %run_scoped3A_46 = tpu.sem_alloc : memref<!tpu.dma_semaphore, #tpu.memory_space<semaphore_mem>>
        %dma_start3A = arith.constant 0 : i32
        %dma_start3A_47 = tpu.memref_slice %arg12[%run_scoped3A_25, %dma_start3A] : memref<8x80xf32, #tpu.memory_space<vmem>> -> memref<1x80xf32, #tpu.memory_space<vmem>>
        %dma_start3A_48 = tpu.memref_squeeze %dma_start3A_47 : memref<1x80xf32, #tpu.memory_space<vmem>> -> memref<80xf32, #tpu.memory_space<vmem>>
        %dma_start3A_49 = tpu.memref_slice %arg4[%run_scoped3A_24, %add3A_23] : memref<8x161280xf32, #tpu.memory_space<hbm>> -> memref<1x80xf32, #tpu.memory_space<hbm>>
        %dma_start3A_50 = tpu.memref_squeeze %dma_start3A_49 : memref<1x80xf32, #tpu.memory_space<hbm>> -> memref<80xf32, #tpu.memory_space<hbm>>
        %dma_start3A_51 = arith.constant 0 : i32
        %dma_start3A_52 = tpu.memref_slice %arg12[%run_scoped3A_25, %dma_start3A_51] : memref<8x80xf32, #tpu.memory_space<vmem>> -> memref<1x80xf32, #tpu.memory_space<vmem>>
        %dma_start3A_53 = tpu.memref_squeeze %dma_start3A_52 : memref<1x80xf32, #tpu.memory_space<vmem>> -> memref<80xf32, #tpu.memory_space<vmem>>
        %dma_start3A_54 = tpu.memref_slice %arg4[%run_scoped3A_24, %add3A_23] : memref<8x161280xf32, #tpu.memory_space<hbm>> -> memref<1x80xf32, #tpu.memory_space<hbm>>
        %dma_start3A_55 = tpu.memref_squeeze %dma_start3A_54 : memref<1x80xf32, #tpu.memory_space<hbm>> -> memref<80xf32, #tpu.memory_space<hbm>>
        tpu.enqueue_dma source(%dma_start3A_55 : memref<80xf32, #tpu.memory_space<hbm>>) target(%dma_start3A_53 : memref<80xf32, #tpu.memory_space<vmem>>) target_semaphore(%run_scoped3A_46 : memref<!tpu.dma_semaphore, #tpu.memory_space<semaphore_mem>>)
        %dma_wait3A = arith.constant 0 : i32
        %dma_wait3A_56 = tpu.memref_slice %arg12[%run_scoped3A_25, %dma_wait3A] : memref<8x80xf32, #tpu.memory_space<vmem>> -> memref<1x80xf32, #tpu.memory_space<vmem>>
        %dma_wait3A_57 = tpu.memref_squeeze %dma_wait3A_56 : memref<1x80xf32, #tpu.memory_space<vmem>> -> memref<80xf32, #tpu.memory_space<vmem>>
        %dma_wait3A_58 = tpu.memref_slice %arg4[%run_scoped3A_24, %add3A_23] : memref<8x161280xf32, #tpu.memory_space<hbm>> -> memref<1x80xf32, #tpu.memory_space<hbm>>
        %dma_wait3A_59 = tpu.memref_squeeze %dma_wait3A_58 : memref<1x80xf32, #tpu.memory_space<hbm>> -> memref<80xf32, #tpu.memory_space<hbm>>
        %dma_wait3A_60 = arith.constant 0 : i32
        %dma_wait3A_61 = tpu.memref_slice %arg12[%run_scoped3A_25, %dma_wait3A_60] : memref<8x80xf32, #tpu.memory_space<vmem>> -> memref<1x80xf32, #tpu.memory_space<vmem>>
        %dma_wait3A_62 = tpu.memref_squeeze %dma_wait3A_61 : memref<1x80xf32, #tpu.memory_space<vmem>> -> memref<80xf32, #tpu.memory_space<vmem>>
        %dma_wait3A_63 = tpu.memref_slice %arg4[%run_scoped3A_24, %add3A_23] : memref<8x161280xf32, #tpu.memory_space<hbm>> -> memref<1x80xf32, #tpu.memory_space<hbm>>
        %dma_wait3A_64 = tpu.memref_squeeze %dma_wait3A_63 : memref<1x80xf32, #tpu.memory_space<hbm>> -> memref<80xf32, #tpu.memory_space<hbm>>
        tpu.wait_dma2 semaphore(%run_scoped3A_46 : memref<!tpu.dma_semaphore, #tpu.memory_space<semaphore_mem>>) src(%dma_wait3A_64 : memref<80xf32, #tpu.memory_space<hbm>>) dst(%dma_wait3A_62 : memref<80xf32, #tpu.memory_space<vmem>>)
        tpu.yield
      }) : () -> ()
      %run_scoped3A_26 = arith.constant 1 : i32
      %run_scoped3A_27 = arith.constant 1 : i32
      "tpu.region"() ({
        %run_scoped3A_46 = tpu.sem_alloc : memref<!tpu.dma_semaphore, #tpu.memory_space<semaphore_mem>>
        %dma_start3A = arith.constant 0 : i32
        %dma_start3A_47 = tpu.memref_slice %arg12[%run_scoped3A_27, %dma_start3A] : memref<8x80xf32, #tpu.memory_space<vmem>> -> memref<1x80xf32, #tpu.memory_space<vmem>>
        %dma_start3A_48 = tpu.memref_squeeze %dma_start3A_47 : memref<1x80xf32, #tpu.memory_space<vmem>> -> memref<80xf32, #tpu.memory_space<vmem>>
        %dma_start3A_49 = tpu.memref_slice %arg4[%run_scoped3A_26, %add3A_23] : memref<8x161280xf32, #tpu.memory_space<hbm>> -> memref<1x80xf32, #tpu.memory_space<hbm>>
        %dma_start3A_50 = tpu.memref_squeeze %dma_start3A_49 : memref<1x80xf32, #tpu.memory_space<hbm>> -> memref<80xf32, #tpu.memory_space<hbm>>
        %dma_start3A_51 = arith.constant 0 : i32
        %dma_start3A_52 = tpu.memref_slice %arg12[%run_scoped3A_27, %dma_start3A_51] : memref<8x80xf32, #tpu.memory_space<vmem>> -> memref<1x80xf32, #tpu.memory_space<vmem>>
        %dma_start3A_53 = tpu.memref_squeeze %dma_start3A_52 : memref<1x80xf32, #tpu.memory_space<vmem>> -> memref<80xf32, #tpu.memory_space<vmem>>
        %dma_start3A_54 = tpu.memref_slice %arg4[%run_scoped3A_26, %add3A_23] : memref<8x161280xf32, #tpu.memory_space<hbm>> -> memref<1x80xf32, #tpu.memory_space<hbm>>
        %dma_start3A_55 = tpu.memref_squeeze %dma_start3A_54 : memref<1x80xf32, #tpu.memory_space<hbm>> -> memref<80xf32, #tpu.memory_space<hbm>>
        tpu.enqueue_dma source(%dma_start3A_55 : memref<80xf32, #tpu.memory_space<hbm>>) target(%dma_start3A_53 : memref<80xf32, #tpu.memory_space<vmem>>) target_semaphore(%run_scoped3A_46 : memref<!tpu.dma_semaphore, #tpu.memory_space<semaphore_mem>>)
        %dma_wait3A = arith.constant 0 : i32
        %dma_wait3A_56 = tpu.memref_slice %arg12[%run_scoped3A_27, %dma_wait3A] : memref<8x80xf32, #tpu.memory_space<vmem>> -> memref<1x80xf32, #tpu.memory_space<vmem>>
        %dma_wait3A_57 = tpu.memref_squeeze %dma_wait3A_56 : memref<1x80xf32, #tpu.memory_space<vmem>> -> memref<80xf32, #tpu.memory_space<vmem>>
        %dma_wait3A_58 = tpu.memref_slice %arg4[%run_scoped3A_26, %add3A_23] : memref<8x161280xf32, #tpu.memory_space<hbm>> -> memref<1x80xf32, #tpu.memory_space<hbm>>
        %dma_wait3A_59 = tpu.memref_squeeze %dma_wait3A_58 : memref<1x80xf32, #tpu.memory_space<hbm>> -> memref<80xf32, #tpu.memory_space<hbm>>
        %dma_wait3A_60 = arith.constant 0 : i32
        %dma_wait3A_61 = tpu.memref_slice %arg12[%run_scoped3A_27, %dma_wait3A_60] : memref<8x80xf32, #tpu.memory_space<vmem>> -> memref<1x80xf32, #tpu.memory_space<vmem>>
        %dma_wait3A_62 = tpu.memref_squeeze %dma_wait3A_61 : memref<1x80xf32, #tpu.memory_space<vmem>> -> memref<80xf32, #tpu.memory_space<vmem>>
        %dma_wait3A_63 = tpu.memref_slice %arg4[%run_scoped3A_26, %add3A_23] : memref<8x161280xf32, #tpu.memory_space<hbm>> -> memref<1x80xf32, #tpu.memory_space<hbm>>
        %dma_wait3A_64 = tpu.memref_squeeze %dma_wait3A_63 : memref<1x80xf32, #tpu.memory_space<hbm>> -> memref<80xf32, #tpu.memory_space<hbm>>
        tpu.wait_dma2 semaphore(%run_scoped3A_46 : memref<!tpu.dma_semaphore, #tpu.memory_space<semaphore_mem>>) src(%dma_wait3A_64 : memref<80xf32, #tpu.memory_space<hbm>>) dst(%dma_wait3A_62 : memref<80xf32, #tpu.memory_space<vmem>>)
        tpu.yield
      }) : () -> ()
      %run_scoped3A_28 = arith.constant 2 : i32
      %run_scoped3A_29 = arith.constant 2 : i32
      "tpu.region"() ({
        %run_scoped3A_46 = tpu.sem_alloc : memref<!tpu.dma_semaphore, #tpu.memory_space<semaphore_mem>>
        %dma_start3A = arith.constant 0 : i32
        %dma_start3A_47 = tpu.memref_slice %arg12[%run_scoped3A_29, %dma_start3A] : memref<8x80xf32, #tpu.memory_space<vmem>> -> memref<1x80xf32, #tpu.memory_space<vmem>>
        %dma_start3A_48 = tpu.memref_squeeze %dma_start3A_47 : memref<1x80xf32, #tpu.memory_space<vmem>> -> memref<80xf32, #tpu.memory_space<vmem>>
        %dma_start3A_49 = tpu.memref_slice %arg4[%run_scoped3A_28, %add3A_23] : memref<8x161280xf32, #tpu.memory_space<hbm>> -> memref<1x80xf32, #tpu.memory_space<hbm>>
        %dma_start3A_50 = tpu.memref_squeeze %dma_start3A_49 : memref<1x80xf32, #tpu.memory_space<hbm>> -> memref<80xf32, #tpu.memory_space<hbm>>
        %dma_start3A_51 = arith.constant 0 : i32
        %dma_start3A_52 = tpu.memref_slice %arg12[%run_scoped3A_29, %dma_start3A_51] : memref<8x80xf32, #tpu.memory_space<vmem>> -> memref<1x80xf32, #tpu.memory_space<vmem>>
        %dma_start3A_53 = tpu.memref_squeeze %dma_start3A_52 : memref<1x80xf32, #tpu.memory_space<vmem>> -> memref<80xf32, #tpu.memory_space<vmem>>
        %dma_start3A_54 = tpu.memref_slice %arg4[%run_scoped3A_28, %add3A_23] : memref<8x161280xf32, #tpu.memory_space<hbm>> -> memref<1x80xf32, #tpu.memory_space<hbm>>
        %dma_start3A_55 = tpu.memref_squeeze %dma_start3A_54 : memref<1x80xf32, #tpu.memory_space<hbm>> -> memref<80xf32, #tpu.memory_space<hbm>>
        tpu.enqueue_dma source(%dma_start3A_55 : memref<80xf32, #tpu.memory_space<hbm>>) target(%dma_start3A_53 : memref<80xf32, #tpu.memory_space<vmem>>) target_semaphore(%run_scoped3A_46 : memref<!tpu.dma_semaphore, #tpu.memory_space<semaphore_mem>>)
        %dma_wait3A = arith.constant 0 : i32
        %dma_wait3A_56 = tpu.memref_slice %arg12[%run_scoped3A_29, %dma_wait3A] : memref<8x80xf32, #tpu.memory_space<vmem>> -> memref<1x80xf32, #tpu.memory_space<vmem>>
        %dma_wait3A_57 = tpu.memref_squeeze %dma_wait3A_56 : memref<1x80xf32, #tpu.memory_space<vmem>> -> memref<80xf32, #tpu.memory_space<vmem>>
        %dma_wait3A_58 = tpu.memref_slice %arg4[%run_scoped3A_28, %add3A_23] : memref<8x161280xf32, #tpu.memory_space<hbm>> -> memref<1x80xf32, #tpu.memory_space<hbm>>
        %dma_wait3A_59 = tpu.memref_squeeze %dma_wait3A_58 : memref<1x80xf32, #tpu.memory_space<hbm>> -> memref<80xf32, #tpu.memory_space<hbm>>
        %dma_wait3A_60 = arith.constant 0 : i32
        %dma_wait3A_61 = tpu.memref_slice %arg12[%run_scoped3A_29, %dma_wait3A_60] : memref<8x80xf32, #tpu.memory_space<vmem>> -> memref<1x80xf32, #tpu.memory_space<vmem>>
        %dma_wait3A_62 = tpu.memref_squeeze %dma_wait3A_61 : memref<1x80xf32, #tpu.memory_space<vmem>> -> memref<80xf32, #tpu.memory_space<vmem>>
        %dma_wait3A_63 = tpu.memref_slice %arg4[%run_scoped3A_28, %add3A_23] : memref<8x161280xf32, #tpu.memory_space<hbm>> -> memref<1x80xf32, #tpu.memory_space<hbm>>
        %dma_wait3A_64 = tpu.memref_squeeze %dma_wait3A_63 : memref<1x80xf32, #tpu.memory_space<hbm>> -> memref<80xf32, #tpu.memory_space<hbm>>
        tpu.wait_dma2 semaphore(%run_scoped3A_46 : memref<!tpu.dma_semaphore, #tpu.memory_space<semaphore_mem>>) src(%dma_wait3A_64 : memref<80xf32, #tpu.memory_space<hbm>>) dst(%dma_wait3A_62 : memref<80xf32, #tpu.memory_space<vmem>>)
        tpu.yield
      }) : () -> ()
      %run_scoped3A_30 = arith.constant 3 : i32
      %run_scoped3A_31 = arith.constant 3 : i32
      "tpu.region"() ({
        %run_scoped3A_46 = tpu.sem_alloc : memref<!tpu.dma_semaphore, #tpu.memory_space<semaphore_mem>>
        %dma_start3A = arith.constant 0 : i32
        %dma_start3A_47 = tpu.memref_slice %arg12[%run_scoped3A_31, %dma_start3A] : memref<8x80xf32, #tpu.memory_space<vmem>> -> memref<1x80xf32, #tpu.memory_space<vmem>>
        %dma_start3A_48 = tpu.memref_squeeze %dma_start3A_47 : memref<1x80xf32, #tpu.memory_space<vmem>> -> memref<80xf32, #tpu.memory_space<vmem>>
        %dma_start3A_49 = tpu.memref_slice %arg4[%run_scoped3A_30, %add3A_23] : memref<8x161280xf32, #tpu.memory_space<hbm>> -> memref<1x80xf32, #tpu.memory_space<hbm>>
        %dma_start3A_50 = tpu.memref_squeeze %dma_start3A_49 : memref<1x80xf32, #tpu.memory_space<hbm>> -> memref<80xf32, #tpu.memory_space<hbm>>
        %dma_start3A_51 = arith.constant 0 : i32
        %dma_start3A_52 = tpu.memref_slice %arg12[%run_scoped3A_31, %dma_start3A_51] : memref<8x80xf32, #tpu.memory_space<vmem>> -> memref<1x80xf32, #tpu.memory_space<vmem>>
        %dma_start3A_53 = tpu.memref_squeeze %dma_start3A_52 : memref<1x80xf32, #tpu.memory_space<vmem>> -> memref<80xf32, #tpu.memory_space<vmem>>
        %dma_start3A_54 = tpu.memref_slice %arg4[%run_scoped3A_30, %add3A_23] : memref<8x161280xf32, #tpu.memory_space<hbm>> -> memref<1x80xf32, #tpu.memory_space<hbm>>
        %dma_start3A_55 = tpu.memref_squeeze %dma_start3A_54 : memref<1x80xf32, #tpu.memory_space<hbm>> -> memref<80xf32, #tpu.memory_space<hbm>>
        tpu.enqueue_dma source(%dma_start3A_55 : memref<80xf32, #tpu.memory_space<hbm>>) target(%dma_start3A_53 : memref<80xf32, #tpu.memory_space<vmem>>) target_semaphore(%run_scoped3A_46 : memref<!tpu.dma_semaphore, #tpu.memory_space<semaphore_mem>>)
        %dma_wait3A = arith.constant 0 : i32
        %dma_wait3A_56 = tpu.memref_slice %arg12[%run_scoped3A_31, %dma_wait3A] : memref<8x80xf32, #tpu.memory_space<vmem>> -> memref<1x80xf32, #tpu.memory_space<vmem>>
        %dma_wait3A_57 = tpu.memref_squeeze %dma_wait3A_56 : memref<1x80xf32, #tpu.memory_space<vmem>> -> memref<80xf32, #tpu.memory_space<vmem>>
        %dma_wait3A_58 = tpu.memref_slice %arg4[%run_scoped3A_30, %add3A_23] : memref<8x161280xf32, #tpu.memory_space<hbm>> -> memref<1x80xf32, #tpu.memory_space<hbm>>
        %dma_wait3A_59 = tpu.memref_squeeze %dma_wait3A_58 : memref<1x80xf32, #tpu.memory_space<hbm>> -> memref<80xf32, #tpu.memory_space<hbm>>
        %dma_wait3A_60 = arith.constant 0 : i32
        %dma_wait3A_61 = tpu.memref_slice %arg12[%run_scoped3A_31, %dma_wait3A_60] : memref<8x80xf32, #tpu.memory_space<vmem>> -> memref<1x80xf32, #tpu.memory_space<vmem>>
        %dma_wait3A_62 = tpu.memref_squeeze %dma_wait3A_61 : memref<1x80xf32, #tpu.memory_space<vmem>> -> memref<80xf32, #tpu.memory_space<vmem>>
        %dma_wait3A_63 = tpu.memref_slice %arg4[%run_scoped3A_30, %add3A_23] : memref<8x161280xf32, #tpu.memory_space<hbm>> -> memref<1x80xf32, #tpu.memory_space<hbm>>
        %dma_wait3A_64 = tpu.memref_squeeze %dma_wait3A_63 : memref<1x80xf32, #tpu.memory_space<hbm>> -> memref<80xf32, #tpu.memory_space<hbm>>
        tpu.wait_dma2 semaphore(%run_scoped3A_46 : memref<!tpu.dma_semaphore, #tpu.memory_space<semaphore_mem>>) src(%dma_wait3A_64 : memref<80xf32, #tpu.memory_space<hbm>>) dst(%dma_wait3A_62 : memref<80xf32, #tpu.memory_space<vmem>>)
        tpu.yield
      }) : () -> ()
      %run_scoped3A_32 = arith.constant 4 : i32
      %run_scoped3A_33 = arith.constant 4 : i32
      "tpu.region"() ({
        %run_scoped3A_46 = tpu.sem_alloc : memref<!tpu.dma_semaphore, #tpu.memory_space<semaphore_mem>>
        %dma_start3A = arith.constant 0 : i32
        %dma_start3A_47 = tpu.memref_slice %arg12[%run_scoped3A_33, %dma_start3A] : memref<8x80xf32, #tpu.memory_space<vmem>> -> memref<1x80xf32, #tpu.memory_space<vmem>>
        %dma_start3A_48 = tpu.memref_squeeze %dma_start3A_47 : memref<1x80xf32, #tpu.memory_space<vmem>> -> memref<80xf32, #tpu.memory_space<vmem>>
        %dma_start3A_49 = tpu.memref_slice %arg4[%run_scoped3A_32, %add3A_23] : memref<8x161280xf32, #tpu.memory_space<hbm>> -> memref<1x80xf32, #tpu.memory_space<hbm>>
        %dma_start3A_50 = tpu.memref_squeeze %dma_start3A_49 : memref<1x80xf32, #tpu.memory_space<hbm>> -> memref<80xf32, #tpu.memory_space<hbm>>
        %dma_start3A_51 = arith.constant 0 : i32
        %dma_start3A_52 = tpu.memref_slice %arg12[%run_scoped3A_33, %dma_start3A_51] : memref<8x80xf32, #tpu.memory_space<vmem>> -> memref<1x80xf32, #tpu.memory_space<vmem>>
        %dma_start3A_53 = tpu.memref_squeeze %dma_start3A_52 : memref<1x80xf32, #tpu.memory_space<vmem>> -> memref<80xf32, #tpu.memory_space<vmem>>
        %dma_start3A_54 = tpu.memref_slice %arg4[%run_scoped3A_32, %add3A_23] : memref<8x161280xf32, #tpu.memory_space<hbm>> -> memref<1x80xf32, #tpu.memory_space<hbm>>
        %dma_start3A_55 = tpu.memref_squeeze %dma_start3A_54 : memref<1x80xf32, #tpu.memory_space<hbm>> -> memref<80xf32, #tpu.memory_space<hbm>>
        tpu.enqueue_dma source(%dma_start3A_55 : memref<80xf32, #tpu.memory_space<hbm>>) target(%dma_start3A_53 : memref<80xf32, #tpu.memory_space<vmem>>) target_semaphore(%run_scoped3A_46 : memref<!tpu.dma_semaphore, #tpu.memory_space<semaphore_mem>>)
        %dma_wait3A = arith.constant 0 : i32
        %dma_wait3A_56 = tpu.memref_slice %arg12[%run_scoped3A_33, %dma_wait3A] : memref<8x80xf32, #tpu.memory_space<vmem>> -> memref<1x80xf32, #tpu.memory_space<vmem>>
        %dma_wait3A_57 = tpu.memref_squeeze %dma_wait3A_56 : memref<1x80xf32, #tpu.memory_space<vmem>> -> memref<80xf32, #tpu.memory_space<vmem>>
        %dma_wait3A_58 = tpu.memref_slice %arg4[%run_scoped3A_32, %add3A_23] : memref<8x161280xf32, #tpu.memory_space<hbm>> -> memref<1x80xf32, #tpu.memory_space<hbm>>
        %dma_wait3A_59 = tpu.memref_squeeze %dma_wait3A_58 : memref<1x80xf32, #tpu.memory_space<hbm>> -> memref<80xf32, #tpu.memory_space<hbm>>
        %dma_wait3A_60 = arith.constant 0 : i32
        %dma_wait3A_61 = tpu.memref_slice %arg12[%run_scoped3A_33, %dma_wait3A_60] : memref<8x80xf32, #tpu.memory_space<vmem>> -> memref<1x80xf32, #tpu.memory_space<vmem>>
        %dma_wait3A_62 = tpu.memref_squeeze %dma_wait3A_61 : memref<1x80xf32, #tpu.memory_space<vmem>> -> memref<80xf32, #tpu.memory_space<vmem>>
        %dma_wait3A_63 = tpu.memref_slice %arg4[%run_scoped3A_32, %add3A_23] : memref<8x161280xf32, #tpu.memory_space<hbm>> -> memref<1x80xf32, #tpu.memory_space<hbm>>
        %dma_wait3A_64 = tpu.memref_squeeze %dma_wait3A_63 : memref<1x80xf32, #tpu.memory_space<hbm>> -> memref<80xf32, #tpu.memory_space<hbm>>
        tpu.wait_dma2 semaphore(%run_scoped3A_46 : memref<!tpu.dma_semaphore, #tpu.memory_space<semaphore_mem>>) src(%dma_wait3A_64 : memref<80xf32, #tpu.memory_space<hbm>>) dst(%dma_wait3A_62 : memref<80xf32, #tpu.memory_space<vmem>>)
        tpu.yield
      }) : () -> ()
      %run_scoped3A_34 = arith.constant 5 : i32
      %run_scoped3A_35 = arith.constant 5 : i32
      "tpu.region"() ({
        %run_scoped3A_46 = tpu.sem_alloc : memref<!tpu.dma_semaphore, #tpu.memory_space<semaphore_mem>>
        %dma_start3A = arith.constant 0 : i32
        %dma_start3A_47 = tpu.memref_slice %arg12[%run_scoped3A_35, %dma_start3A] : memref<8x80xf32, #tpu.memory_space<vmem>> -> memref<1x80xf32, #tpu.memory_space<vmem>>
        %dma_start3A_48 = tpu.memref_squeeze %dma_start3A_47 : memref<1x80xf32, #tpu.memory_space<vmem>> -> memref<80xf32, #tpu.memory_space<vmem>>
        %dma_start3A_49 = tpu.memref_slice %arg4[%run_scoped3A_34, %add3A_23] : memref<8x161280xf32, #tpu.memory_space<hbm>> -> memref<1x80xf32, #tpu.memory_space<hbm>>
        %dma_start3A_50 = tpu.memref_squeeze %dma_start3A_49 : memref<1x80xf32, #tpu.memory_space<hbm>> -> memref<80xf32, #tpu.memory_space<hbm>>
        %dma_start3A_51 = arith.constant 0 : i32
        %dma_start3A_52 = tpu.memref_slice %arg12[%run_scoped3A_35, %dma_start3A_51] : memref<8x80xf32, #tpu.memory_space<vmem>> -> memref<1x80xf32, #tpu.memory_space<vmem>>
        %dma_start3A_53 = tpu.memref_squeeze %dma_start3A_52 : memref<1x80xf32, #tpu.memory_space<vmem>> -> memref<80xf32, #tpu.memory_space<vmem>>
        %dma_start3A_54 = tpu.memref_slice %arg4[%run_scoped3A_34, %add3A_23] : memref<8x161280xf32, #tpu.memory_space<hbm>> -> memref<1x80xf32, #tpu.memory_space<hbm>>
        %dma_start3A_55 = tpu.memref_squeeze %dma_start3A_54 : memref<1x80xf32, #tpu.memory_space<hbm>> -> memref<80xf32, #tpu.memory_space<hbm>>
        tpu.enqueue_dma source(%dma_start3A_55 : memref<80xf32, #tpu.memory_space<hbm>>) target(%dma_start3A_53 : memref<80xf32, #tpu.memory_space<vmem>>) target_semaphore(%run_scoped3A_46 : memref<!tpu.dma_semaphore, #tpu.memory_space<semaphore_mem>>)
        %dma_wait3A = arith.constant 0 : i32
        %dma_wait3A_56 = tpu.memref_slice %arg12[%run_scoped3A_35, %dma_wait3A] : memref<8x80xf32, #tpu.memory_space<vmem>> -> memref<1x80xf32, #tpu.memory_space<vmem>>
        %dma_wait3A_57 = tpu.memref_squeeze %dma_wait3A_56 : memref<1x80xf32, #tpu.memory_space<vmem>> -> memref<80xf32, #tpu.memory_space<vmem>>
        %dma_wait3A_58 = tpu.memref_slice %arg4[%run_scoped3A_34, %add3A_23] : memref<8x161280xf32, #tpu.memory_space<hbm>> -> memref<1x80xf32, #tpu.memory_space<hbm>>
        %dma_wait3A_59 = tpu.memref_squeeze %dma_wait3A_58 : memref<1x80xf32, #tpu.memory_space<hbm>> -> memref<80xf32, #tpu.memory_space<hbm>>
        %dma_wait3A_60 = arith.constant 0 : i32
        %dma_wait3A_61 = tpu.memref_slice %arg12[%run_scoped3A_35, %dma_wait3A_60] : memref<8x80xf32, #tpu.memory_space<vmem>> -> memref<1x80xf32, #tpu.memory_space<vmem>>
        %dma_wait3A_62 = tpu.memref_squeeze %dma_wait3A_61 : memref<1x80xf32, #tpu.memory_space<vmem>> -> memref<80xf32, #tpu.memory_space<vmem>>
        %dma_wait3A_63 = tpu.memref_slice %arg4[%run_scoped3A_34, %add3A_23] : memref<8x161280xf32, #tpu.memory_space<hbm>> -> memref<1x80xf32, #tpu.memory_space<hbm>>
        %dma_wait3A_64 = tpu.memref_squeeze %dma_wait3A_63 : memref<1x80xf32, #tpu.memory_space<hbm>> -> memref<80xf32, #tpu.memory_space<hbm>>
        tpu.wait_dma2 semaphore(%run_scoped3A_46 : memref<!tpu.dma_semaphore, #tpu.memory_space<semaphore_mem>>) src(%dma_wait3A_64 : memref<80xf32, #tpu.memory_space<hbm>>) dst(%dma_wait3A_62 : memref<80xf32, #tpu.memory_space<vmem>>)
        tpu.yield
      }) : () -> ()
      %run_scoped3A_36 = arith.constant 6 : i32
      %run_scoped3A_37 = arith.constant 6 : i32
      "tpu.region"() ({
        %run_scoped3A_46 = tpu.sem_alloc : memref<!tpu.dma_semaphore, #tpu.memory_space<semaphore_mem>>
        %dma_start3A = arith.constant 0 : i32
        %dma_start3A_47 = tpu.memref_slice %arg12[%run_scoped3A_37, %dma_start3A] : memref<8x80xf32, #tpu.memory_space<vmem>> -> memref<1x80xf32, #tpu.memory_space<vmem>>
        %dma_start3A_48 = tpu.memref_squeeze %dma_start3A_47 : memref<1x80xf32, #tpu.memory_space<vmem>> -> memref<80xf32, #tpu.memory_space<vmem>>
        %dma_start3A_49 = tpu.memref_slice %arg4[%run_scoped3A_36, %add3A_23] : memref<8x161280xf32, #tpu.memory_space<hbm>> -> memref<1x80xf32, #tpu.memory_space<hbm>>
        %dma_start3A_50 = tpu.memref_squeeze %dma_start3A_49 : memref<1x80xf32, #tpu.memory_space<hbm>> -> memref<80xf32, #tpu.memory_space<hbm>>
        %dma_start3A_51 = arith.constant 0 : i32
        %dma_start3A_52 = tpu.memref_slice %arg12[%run_scoped3A_37, %dma_start3A_51] : memref<8x80xf32, #tpu.memory_space<vmem>> -> memref<1x80xf32, #tpu.memory_space<vmem>>
        %dma_start3A_53 = tpu.memref_squeeze %dma_start3A_52 : memref<1x80xf32, #tpu.memory_space<vmem>> -> memref<80xf32, #tpu.memory_space<vmem>>
        %dma_start3A_54 = tpu.memref_slice %arg4[%run_scoped3A_36, %add3A_23] : memref<8x161280xf32, #tpu.memory_space<hbm>> -> memref<1x80xf32, #tpu.memory_space<hbm>>
        %dma_start3A_55 = tpu.memref_squeeze %dma_start3A_54 : memref<1x80xf32, #tpu.memory_space<hbm>> -> memref<80xf32, #tpu.memory_space<hbm>>
        tpu.enqueue_dma source(%dma_start3A_55 : memref<80xf32, #tpu.memory_space<hbm>>) target(%dma_start3A_53 : memref<80xf32, #tpu.memory_space<vmem>>) target_semaphore(%run_scoped3A_46 : memref<!tpu.dma_semaphore, #tpu.memory_space<semaphore_mem>>)
        %dma_wait3A = arith.constant 0 : i32
        %dma_wait3A_56 = tpu.memref_slice %arg12[%run_scoped3A_37, %dma_wait3A] : memref<8x80xf32, #tpu.memory_space<vmem>> -> memref<1x80xf32, #tpu.memory_space<vmem>>
        %dma_wait3A_57 = tpu.memref_squeeze %dma_wait3A_56 : memref<1x80xf32, #tpu.memory_space<vmem>> -> memref<80xf32, #tpu.memory_space<vmem>>
        %dma_wait3A_58 = tpu.memref_slice %arg4[%run_scoped3A_36, %add3A_23] : memref<8x161280xf32, #tpu.memory_space<hbm>> -> memref<1x80xf32, #tpu.memory_space<hbm>>
        %dma_wait3A_59 = tpu.memref_squeeze %dma_wait3A_58 : memref<1x80xf32, #tpu.memory_space<hbm>> -> memref<80xf32, #tpu.memory_space<hbm>>
        %dma_wait3A_60 = arith.constant 0 : i32
        %dma_wait3A_61 = tpu.memref_slice %arg12[%run_scoped3A_37, %dma_wait3A_60] : memref<8x80xf32, #tpu.memory_space<vmem>> -> memref<1x80xf32, #tpu.memory_space<vmem>>
        %dma_wait3A_62 = tpu.memref_squeeze %dma_wait3A_61 : memref<1x80xf32, #tpu.memory_space<vmem>> -> memref<80xf32, #tpu.memory_space<vmem>>
        %dma_wait3A_63 = tpu.memref_slice %arg4[%run_scoped3A_36, %add3A_23] : memref<8x161280xf32, #tpu.memory_space<hbm>> -> memref<1x80xf32, #tpu.memory_space<hbm>>
        %dma_wait3A_64 = tpu.memref_squeeze %dma_wait3A_63 : memref<1x80xf32, #tpu.memory_space<hbm>> -> memref<80xf32, #tpu.memory_space<hbm>>
        tpu.wait_dma2 semaphore(%run_scoped3A_46 : memref<!tpu.dma_semaphore, #tpu.memory_space<semaphore_mem>>) src(%dma_wait3A_64 : memref<80xf32, #tpu.memory_space<hbm>>) dst(%dma_wait3A_62 : memref<80xf32, #tpu.memory_space<vmem>>)
        tpu.yield
      }) : () -> ()
      %run_scoped3A_38 = arith.constant 7 : i32
      %run_scoped3A_39 = arith.constant 7 : i32
      "tpu.region"() ({
        %run_scoped3A_46 = tpu.sem_alloc : memref<!tpu.dma_semaphore, #tpu.memory_space<semaphore_mem>>
        %dma_start3A = arith.constant 0 : i32
        %dma_start3A_47 = tpu.memref_slice %arg12[%run_scoped3A_39, %dma_start3A] : memref<8x80xf32, #tpu.memory_space<vmem>> -> memref<1x80xf32, #tpu.memory_space<vmem>>
        %dma_start3A_48 = tpu.memref_squeeze %dma_start3A_47 : memref<1x80xf32, #tpu.memory_space<vmem>> -> memref<80xf32, #tpu.memory_space<vmem>>
        %dma_start3A_49 = tpu.memref_slice %arg4[%run_scoped3A_38, %add3A_23] : memref<8x161280xf32, #tpu.memory_space<hbm>> -> memref<1x80xf32, #tpu.memory_space<hbm>>
        %dma_start3A_50 = tpu.memref_squeeze %dma_start3A_49 : memref<1x80xf32, #tpu.memory_space<hbm>> -> memref<80xf32, #tpu.memory_space<hbm>>
        %dma_start3A_51 = arith.constant 0 : i32
        %dma_start3A_52 = tpu.memref_slice %arg12[%run_scoped3A_39, %dma_start3A_51] : memref<8x80xf32, #tpu.memory_space<vmem>> -> memref<1x80xf32, #tpu.memory_space<vmem>>
        %dma_start3A_53 = tpu.memref_squeeze %dma_start3A_52 : memref<1x80xf32, #tpu.memory_space<vmem>> -> memref<80xf32, #tpu.memory_space<vmem>>
        %dma_start3A_54 = tpu.memref_slice %arg4[%run_scoped3A_38, %add3A_23] : memref<8x161280xf32, #tpu.memory_space<hbm>> -> memref<1x80xf32, #tpu.memory_space<hbm>>
        %dma_start3A_55 = tpu.memref_squeeze %dma_start3A_54 : memref<1x80xf32, #tpu.memory_space<hbm>> -> memref<80xf32, #tpu.memory_space<hbm>>
        tpu.enqueue_dma source(%dma_start3A_55 : memref<80xf32, #tpu.memory_space<hbm>>) target(%dma_start3A_53 : memref<80xf32, #tpu.memory_space<vmem>>) target_semaphore(%run_scoped3A_46 : memref<!tpu.dma_semaphore, #tpu.memory_space<semaphore_mem>>)
        %dma_wait3A = arith.constant 0 : i32
        %dma_wait3A_56 = tpu.memref_slice %arg12[%run_scoped3A_39, %dma_wait3A] : memref<8x80xf32, #tpu.memory_space<vmem>> -> memref<1x80xf32, #tpu.memory_space<vmem>>
        %dma_wait3A_57 = tpu.memref_squeeze %dma_wait3A_56 : memref<1x80xf32, #tpu.memory_space<vmem>> -> memref<80xf32, #tpu.memory_space<vmem>>
        %dma_wait3A_58 = tpu.memref_slice %arg4[%run_scoped3A_38, %add3A_23] : memref<8x161280xf32, #tpu.memory_space<hbm>> -> memref<1x80xf32, #tpu.memory_space<hbm>>
        %dma_wait3A_59 = tpu.memref_squeeze %dma_wait3A_58 : memref<1x80xf32, #tpu.memory_space<hbm>> -> memref<80xf32, #tpu.memory_space<hbm>>
        %dma_wait3A_60 = arith.constant 0 : i32
        %dma_wait3A_61 = tpu.memref_slice %arg12[%run_scoped3A_39, %dma_wait3A_60] : memref<8x80xf32, #tpu.memory_space<vmem>> -> memref<1x80xf32, #tpu.memory_space<vmem>>
        %dma_wait3A_62 = tpu.memref_squeeze %dma_wait3A_61 : memref<1x80xf32, #tpu.memory_space<vmem>> -> memref<80xf32, #tpu.memory_space<vmem>>
        %dma_wait3A_63 = tpu.memref_slice %arg4[%run_scoped3A_38, %add3A_23] : memref<8x161280xf32, #tpu.memory_space<hbm>> -> memref<1x80xf32, #tpu.memory_space<hbm>>
        %dma_wait3A_64 = tpu.memref_squeeze %dma_wait3A_63 : memref<1x80xf32, #tpu.memory_space<hbm>> -> memref<80xf32, #tpu.memory_space<hbm>>
        tpu.wait_dma2 semaphore(%run_scoped3A_46 : memref<!tpu.dma_semaphore, #tpu.memory_space<semaphore_mem>>) src(%dma_wait3A_64 : memref<80xf32, #tpu.memory_space<hbm>>) dst(%dma_wait3A_62 : memref<80xf32, #tpu.memory_space<vmem>>)
        tpu.yield
      }) : () -> ()
      %scan3A_40 = arith.constant 0 : i32
      %scan3A_41 = arith.constant 0 : i32
      %scan3A_42 = arith.constant 5 : i32
      %scan3A_43 = arith.addi %scan3A_41, %scan3A_42 : i32
      %scan3A_44 = arith.constant 1 : i32
      scf.for %scan3A_46 = %scan3A_41 to %scan3A_43 step %scan3A_44  : i32 {
        %mul3A_47 = arith.constant 16 : i32
        %mul3A_48 = arith.muli %scan3A_46, %mul3A_47 : i32
        %get3A = arith.index_cast %mul3A_48 : i32 to index
        %get3A_49 = tpu.vector_load %arg10[%get3A] {strides = array<i32>} : memref<80xi32, #tpu.memory_space<vmem>>, vector<16xi32>,
        %get3A_50 = arith.index_cast %mul3A_48 : i32 to index
        %get3A_51 = tpu.vector_load %arg11[%get3A_50] {strides = array<i32>} : memref<80xf32, #tpu.memory_space<vmem>>, vector<16xf32>,
        %gather3A = tpu.vector_load_idx %arg8[%get3A_49] : memref<10240xf32, #tpu.memory_space<vmem>>[vector<16xi32>], vector<16xf32>,
        %sub3A = arith.subf %get3A_51, %gather3A : vector<16xf32>
        %mul3A_52 = arith.constant 5.000000e-01 : f32
        %mul3A_53 = vector.broadcast %mul3A_52 : f32 to vector<16xf32>
        %mul3A_54 = arith.mulf %sub3A, %mul3A_53 : vector<16xf32>
        %exp3A = math.exp %mul3A_54 : vector<16xf32>
        %add3A_55 = vector.broadcast %mul3A_48 : i32 to vector<16xi32>
        %add3A_56 = arith.addi %add3A_55, %iota3A : vector<16xi32>
        %get3A_57 = arith.constant 0 : i32
        %get3A_58 = arith.index_cast %get3A_57 : i32 to index
        %get3A_59 = arith.index_cast %mul3A_48 : i32 to index
        %get3A_60 = tpu.vector_load %arg12[%get3A_58, %get3A_59] {strides = array<i32>} : memref<8x80xf32, #tpu.memory_space<vmem>>, vector<16xf32>,
        %mul3A_61 = arith.mulf %exp3A, %get3A_60 : vector<16xf32>
        %broadcast_in_dim3A = arith.constant 0 : i32
        %broadcast_in_dim3A_62 = vector.broadcast %broadcast_in_dim3A : i32 to vector<16xi32>
        tpu.vector_store_idx %arg13[%add3A_56, %broadcast_in_dim3A_62], %mul3A_61 : memref<80x16xf32, #tpu.memory_space<vmem>>[vector<16xi32>, vector<16xi32>], vector<16xf32>,
        %get3A_63 = arith.constant 1 : i32
        %get3A_64 = arith.index_cast %get3A_63 : i32 to index
        %get3A_65 = arith.index_cast %mul3A_48 : i32 to index
        %get3A_66 = tpu.vector_load %arg12[%get3A_64, %get3A_65] {strides = array<i32>} : memref<8x80xf32, #tpu.memory_space<vmem>>, vector<16xf32>,
        %mul3A_67 = arith.mulf %exp3A, %get3A_66 : vector<16xf32>
        %broadcast_in_dim3A_68 = arith.constant 1 : i32
        %broadcast_in_dim3A_69 = vector.broadcast %broadcast_in_dim3A_68 : i32 to vector<16xi32>
        tpu.vector_store_idx %arg13[%add3A_56, %broadcast_in_dim3A_69], %mul3A_67 : memref<80x16xf32, #tpu.memory_space<vmem>>[vector<16xi32>, vector<16xi32>], vector<16xf32>,
        %get3A_70 = arith.constant 2 : i32
        %get3A_71 = arith.index_cast %get3A_70 : i32 to index
        %get3A_72 = arith.index_cast %mul3A_48 : i32 to index
        %get3A_73 = tpu.vector_load %arg12[%get3A_71, %get3A_72] {strides = array<i32>} : memref<8x80xf32, #tpu.memory_space<vmem>>, vector<16xf32>,
        %mul3A_74 = arith.mulf %exp3A, %get3A_73 : vector<16xf32>
        %broadcast_in_dim3A_75 = arith.constant 2 : i32
        %broadcast_in_dim3A_76 = vector.broadcast %broadcast_in_dim3A_75 : i32 to vector<16xi32>
        tpu.vector_store_idx %arg13[%add3A_56, %broadcast_in_dim3A_76], %mul3A_74 : memref<80x16xf32, #tpu.memory_space<vmem>>[vector<16xi32>, vector<16xi32>], vector<16xf32>,
        %get3A_77 = arith.constant 3 : i32
        %get3A_78 = arith.index_cast %get3A_77 : i32 to index
        %get3A_79 = arith.index_cast %mul3A_48 : i32 to index
        %get3A_80 = tpu.vector_load %arg12[%get3A_78, %get3A_79] {strides = array<i32>} : memref<8x80xf32, #tpu.memory_space<vmem>>, vector<16xf32>,
        %mul3A_81 = arith.mulf %exp3A, %get3A_80 : vector<16xf32>
        %broadcast_in_dim3A_82 = arith.constant 3 : i32
        %broadcast_in_dim3A_83 = vector.broadcast %broadcast_in_dim3A_82 : i32 to vector<16xi32>
        tpu.vector_store_idx %arg13[%add3A_56, %broadcast_in_dim3A_83], %mul3A_81 : memref<80x16xf32, #tpu.memory_space<vmem>>[vector<16xi32>, vector<16xi32>], vector<16xf32>,
        %get3A_84 = arith.constant 4 : i32
        %get3A_85 = arith.index_cast %get3A_84 : i32 to index
        %get3A_86 = arith.index_cast %mul3A_48 : i32 to index
        %get3A_87 = tpu.vector_load %arg12[%get3A_85, %get3A_86] {strides = array<i32>} : memref<8x80xf32, #tpu.memory_space<vmem>>, vector<16xf32>,
        %mul3A_88 = arith.mulf %exp3A, %get3A_87 : vector<16xf32>
        %broadcast_in_dim3A_89 = arith.constant 4 : i32
        %broadcast_in_dim3A_90 = vector.broadcast %broadcast_in_dim3A_89 : i32 to vector<16xi32>
        tpu.vector_store_idx %arg13[%add3A_56, %broadcast_in_dim3A_90], %mul3A_88 : memref<80x16xf32, #tpu.memory_space<vmem>>[vector<16xi32>, vector<16xi32>], vector<16xf32>,
        %get3A_91 = arith.constant 5 : i32
        %get3A_92 = arith.index_cast %get3A_91 : i32 to index
        %get3A_93 = arith.index_cast %mul3A_48 : i32 to index
        %get3A_94 = tpu.vector_load %arg12[%get3A_92, %get3A_93] {strides = array<i32>} : memref<8x80xf32, #tpu.memory_space<vmem>>, vector<16xf32>,
        %mul3A_95 = arith.mulf %exp3A, %get3A_94 : vector<16xf32>
        %broadcast_in_dim3A_96 = arith.constant 5 : i32
        %broadcast_in_dim3A_97 = vector.broadcast %broadcast_in_dim3A_96 : i32 to vector<16xi32>
        tpu.vector_store_idx %arg13[%add3A_56, %broadcast_in_dim3A_97], %mul3A_95 : memref<80x16xf32, #tpu.memory_space<vmem>>[vector<16xi32>, vector<16xi32>], vector<16xf32>,
        %get3A_98 = arith.constant 6 : i32
        %get3A_99 = arith.index_cast %get3A_98 : i32 to index
        %get3A_100 = arith.index_cast %mul3A_48 : i32 to index
        %get3A_101 = tpu.vector_load %arg12[%get3A_99, %get3A_100] {strides = array<i32>} : memref<8x80xf32, #tpu.memory_space<vmem>>, vector<16xf32>,
        %mul3A_102 = arith.mulf %exp3A, %get3A_101 : vector<16xf32>
        %broadcast_in_dim3A_103 = arith.constant 6 : i32
        %broadcast_in_dim3A_104 = vector.broadcast %broadcast_in_dim3A_103 : i32 to vector<16xi32>
        tpu.vector_store_idx %arg13[%add3A_56, %broadcast_in_dim3A_104], %mul3A_102 : memref<80x16xf32, #tpu.memory_space<vmem>>[vector<16xi32>, vector<16xi32>], vector<16xf32>,
        %get3A_105 = arith.constant 7 : i32
        %get3A_106 = arith.index_cast %get3A_105 : i32 to index
        %get3A_107 = arith.index_cast %mul3A_48 : i32 to index
        %get3A_108 = tpu.vector_load %arg12[%get3A_106, %get3A_107] {strides = array<i32>} : memref<8x80xf32, #tpu.memory_space<vmem>>, vector<16xf32>,
        %mul3A_109 = arith.mulf %exp3A, %get3A_108 : vector<16xf32>
        %broadcast_in_dim3A_110 = arith.constant 7 : i32
        %broadcast_in_dim3A_111 = vector.broadcast %broadcast_in_dim3A_110 : i32 to vector<16xi32>
        tpu.vector_store_idx %arg13[%add3A_56, %broadcast_in_dim3A_111], %mul3A_109 : memref<80x16xf32, #tpu.memory_space<vmem>>[vector<16xi32>, vector<16xi32>], vector<16xf32>,
        %broadcast_in_dim3A_112 = arith.constant 8 : i32
        %broadcast_in_dim3A_113 = vector.broadcast %broadcast_in_dim3A_112 : i32 to vector<16xi32>
        %mul3A_114 = arith.mulf %exp3A, %exp3A : vector<16xf32>
        tpu.vector_store_idx %arg13[%add3A_56, %broadcast_in_dim3A_113], %mul3A_114 : memref<80x16xf32, #tpu.memory_space<vmem>>[vector<16xi32>, vector<16xi32>], vector<16xf32>,
      }
      %scan3A_45 = arith.constant 5 : i32
      "tpu.region"() ({
        %run_scoped3A_46 = tpu.sem_alloc : memref<!tpu.dma_semaphore, #tpu.memory_space<semaphore_mem>>
        %dma_start3A = arith.constant 0 : i32
        %dma_start3A_47 = arith.constant 0 : i32
        %dma_start3A_48 = tpu.memref_slice %arg15[%dma_start3A, %dma_start3A_47] : memref<10240x16xf32, #tpu.memory_space<vmem_shared>> -> memref<10240x16xf32, #tpu.memory_space<vmem_shared>>
        tpu.enqueue_indirect_dma source(%arg13 : memref<80x16xf32, #tpu.memory_space<vmem>>) target(%dma_start3A_48 : memref<10240x16xf32, #tpu.memory_space<vmem_shared>>) offsets(%arg10 : memref<80xi32, #tpu.memory_space<vmem>>) semaphore(%run_scoped3A_46 : memref<!tpu.dma_semaphore, #tpu.memory_space<semaphore_mem>>) {add = true}
        %dma_wait3A = arith.constant 0 : i32
        %dma_wait3A_49 = arith.constant 0 : i32
        %dma_wait3A_50 = tpu.memref_slice %arg15[%dma_wait3A, %dma_wait3A_49] : memref<10240x16xf32, #tpu.memory_space<vmem_shared>> -> memref<10240x16xf32, #tpu.memory_space<vmem_shared>>
        tpu.wait_indirect_dma semaphore(%run_scoped3A_46 : memref<!tpu.dma_semaphore, #tpu.memory_space<semaphore_mem>>) src(%arg13 : memref<80x16xf32, #tpu.memory_space<vmem>>) dst(%dma_wait3A_50 : memref<10240x16xf32, #tpu.memory_space<vmem_shared>>)
        tpu.yield
      }) : () -> ()
    }
    %scan3A_14 = arith.constant 63 : i32
    %barrier3A_15 = arith.constant 0 : index
    tpu.barrier barrier_id(%barrier3A_15)
    %mul3A_16 = arith.constant 640 : i32
    %mul3A_17 = arith.muli %arg1, %mul3A_16 : i32
    "tpu.region"() ({
      %run_scoped3A_18 = tpu.sem_alloc : memref<!tpu.dma_semaphore, #tpu.memory_space<semaphore_mem>>
      %dma_start3A = arith.constant 0 : i32
      %dma_start3A_19 = tpu.memref_slice %arg15[%mul3A_17, %dma_start3A] : memref<10240x16xf32, #tpu.memory_space<vmem_shared>> -> memref<640x16xf32, #tpu.memory_space<vmem_shared>>
      %dma_start3A_20 = arith.constant 0 : i32
      %dma_start3A_21 = tpu.memref_slice %arg15[%mul3A_17, %dma_start3A_20] : memref<10240x16xf32, #tpu.memory_space<vmem_shared>> -> memref<640x16xf32, #tpu.memory_space<vmem_shared>>
      tpu.enqueue_dma source(%dma_start3A_21 : memref<640x16xf32, #tpu.memory_space<vmem_shared>>) target(%arg14 : memref<640x16xf32, #tpu.memory_space<vmem>>) target_semaphore(%run_scoped3A_18 : memref<!tpu.dma_semaphore, #tpu.memory_space<semaphore_mem>>)
      %dma_wait3A = arith.constant 0 : i32
      %dma_wait3A_22 = tpu.memref_slice %arg15[%mul3A_17, %dma_wait3A] : memref<10240x16xf32, #tpu.memory_space<vmem_shared>> -> memref<640x16xf32, #tpu.memory_space<vmem_shared>>
      %dma_wait3A_23 = arith.constant 0 : i32
      %dma_wait3A_24 = tpu.memref_slice %arg15[%mul3A_17, %dma_wait3A_23] : memref<10240x16xf32, #tpu.memory_space<vmem_shared>> -> memref<640x16xf32, #tpu.memory_space<vmem_shared>>
      tpu.wait_dma2 semaphore(%run_scoped3A_18 : memref<!tpu.dma_semaphore, #tpu.memory_space<semaphore_mem>>) src(%dma_wait3A_24 : memref<640x16xf32, #tpu.memory_space<vmem_shared>>) dst(%arg14 : memref<640x16xf32, #tpu.memory_space<vmem>>)
      tpu.yield
    }) : () -> ()
    "tpu.region"() ({
      %run_scoped3A_18 = tpu.sem_alloc : memref<!tpu.dma_semaphore, #tpu.memory_space<semaphore_mem>>
      %dma_start3A = arith.constant 0 : i32
      %dma_start3A_19 = tpu.memref_slice %arg7[%arg0, %mul3A_17, %dma_start3A] : memref<2x10240x16xf32, #tpu.memory_space<hbm>> -> memref<1x640x16xf32, #tpu.memory_space<hbm>>
      %dma_start3A_20 = tpu.memref_squeeze %dma_start3A_19 : memref<1x640x16xf32, #tpu.memory_space<hbm>> -> memref<640x16xf32, #tpu.memory_space<hbm>>
      %dma_start3A_21 = arith.constant 0 : i32
      %dma_start3A_22 = tpu.memref_slice %arg7[%arg0, %mul3A_17, %dma_start3A_21] : memref<2x10240x16xf32, #tpu.memory_space<hbm>> -> memref<1x640x16xf32, #tpu.memory_space<hbm>>
      %dma_start3A_23 = tpu.memref_squeeze %dma_start3A_22 : memref<1x640x16xf32, #tpu.memory_space<hbm>> -> memref<640x16xf32, #tpu.memory_space<hbm>>
      tpu.enqueue_dma source(%arg14 : memref<640x16xf32, #tpu.memory_space<vmem>>) target(%dma_start3A_23 : memref<640x16xf32, #tpu.memory_space<hbm>>) target_semaphore(%run_scoped3A_18 : memref<!tpu.dma_semaphore, #tpu.memory_space<semaphore_mem>>)
      %dma_wait3A = arith.constant 0 : i32
      %dma_wait3A_24 = tpu.memref_slice %arg7[%arg0, %mul3A_17, %dma_wait3A] : memref<2x10240x16xf32, #tpu.memory_space<hbm>> -> memref<1x640x16xf32, #tpu.memory_space<hbm>>
      %dma_wait3A_25 = tpu.memref_squeeze %dma_wait3A_24 : memref<1x640x16xf32, #tpu.memory_space<hbm>> -> memref<640x16xf32, #tpu.memory_space<hbm>>
      %dma_wait3A_26 = arith.constant 0 : i32
      %dma_wait3A_27 = tpu.memref_slice %arg7[%arg0, %mul3A_17, %dma_wait3A_26] : memref<2x10240x16xf32, #tpu.memory_space<hbm>> -> memref<1x640x16xf32, #tpu.memory_space<hbm>>
      %dma_wait3A_28 = tpu.memref_squeeze %dma_wait3A_27 : memref<1x640x16xf32, #tpu.memory_space<hbm>> -> memref<640x16xf32, #tpu.memory_space<hbm>>
      tpu.wait_dma2 semaphore(%run_scoped3A_18 : memref<!tpu.dma_semaphore, #tpu.memory_space<semaphore_mem>>) src(%arg14 : memref<640x16xf32, #tpu.memory_space<vmem>>) dst(%dma_wait3A_28 : memref<640x16xf32, #tpu.memory_space<hbm>>)
      tpu.yield
    }) : () -> ()
    return
  }
}

module attributes {stable_mosaic.version = 14 : i64} {
  func.func @_dense_body(%arg0: i32, %arg1: memref<1280x48xf32, #tpu.memory_space<vmem>>, %arg2: memref<1280x16xf32, #tpu.memory_space<vmem>>, %arg3: memref<8x8xf32, #tpu.memory_space<vmem>>, %arg4: memref<8x8xf32, #tpu.memory_space<vmem>>, %arg5: memref<32x16xf32, #tpu.memory_space<vmem>>, %arg6: memref<16x128xf32, #tpu.memory_space<vmem>>, %arg7: memref<32x16xf32, #tpu.memory_space<vmem>>, %arg8: memref<16x128xf32, #tpu.memory_space<vmem>>, %arg9: memref<1x1280xf32, #tpu.memory_space<vmem>>, %arg10: memref<8x1280xf32, #tpu.memory_space<vmem>>) attributes {dimension_semantics = [#tpu.dimension_semantics<arbitrary>], iteration_bounds = array<i64: 126>, scalar_prefetch = 0 : i64, scratch_operands = 0 : i64, tpu.core_type = #tpu.core_type<tc>, window_params = [{transform_indices = @transform_0, window_bounds = array<i64: 1280, 48>}, {transform_indices = @transform_1, window_bounds = array<i64: 1280, 16>}, {pipeline_mode = #tpu.pipeline_mode<synchronous>, transform_indices = @transform_2, window_bounds = array<i64: 8, 8>}, {pipeline_mode = #tpu.pipeline_mode<synchronous>, transform_indices = @transform_3, window_bounds = array<i64: 8, 8>}, {pipeline_mode = #tpu.pipeline_mode<synchronous>, transform_indices = @transform_4, window_bounds = array<i64: 32, 16>}, {pipeline_mode = #tpu.pipeline_mode<synchronous>, transform_indices = @transform_5, window_bounds = array<i64: 16, 128>}, {pipeline_mode = #tpu.pipeline_mode<synchronous>, transform_indices = @transform_6, window_bounds = array<i64: 32, 16>}, {pipeline_mode = #tpu.pipeline_mode<synchronous>, transform_indices = @transform_7, window_bounds = array<i64: 16, 128>}, {transform_indices = @transform_8, window_bounds = array<i64: 1, 1280>}, {transform_indices = @transform_9, window_bounds = array<i64: 8, 1280>}]} {
    %get3A = arith.constant 0 : index
    %get3A_0 = arith.constant 0 : index
    %get3A_1 = vector.load %arg1[%get3A, %get3A_0] : memref<1280x48xf32, #tpu.memory_space<vmem>>, vector<1280x48xf32>
    %get3A_2 = arith.constant 0 : index
    %get3A_3 = arith.constant 0 : index
    %get3A_4 = vector.load %arg2[%get3A_2, %get3A_3] : memref<1280x16xf32, #tpu.memory_space<vmem>>, vector<1280x16xf32>
    %slice3A = vector.extract_strided_slice %get3A_1 {offsets = [0, 0], sizes = [1280, 8], strides = [1, 1]} : vector<1280x48xf32> to vector<1280x8xf32>
    %slice3A_5 = vector.extract_strided_slice %get3A_1 {offsets = [0, 8], sizes = [1280, 8], strides = [1, 1]} : vector<1280x48xf32> to vector<1280x8xf32>
    %slice3A_6 = vector.extract_strided_slice %get3A_1 {offsets = [0, 16], sizes = [1280, 8], strides = [1, 1]} : vector<1280x48xf32> to vector<1280x8xf32>
    %slice3A_7 = vector.extract_strided_slice %get3A_1 {offsets = [0, 24], sizes = [1280, 8], strides = [1, 1]} : vector<1280x48xf32> to vector<1280x8xf32>
    %slice3A_8 = vector.extract_strided_slice %get3A_1 {offsets = [0, 32], sizes = [1280, 3], strides = [1, 1]} : vector<1280x48xf32> to vector<1280x3xf32>
    %slice3A_9 = vector.extract_strided_slice %get3A_4 {offsets = [0, 0], sizes = [1280, 3], strides = [1, 1]} : vector<1280x16xf32> to vector<1280x3xf32>
    %slice3A_10 = vector.extract_strided_slice %get3A_4 {offsets = [0, 3], sizes = [1280, 8], strides = [1, 1]} : vector<1280x16xf32> to vector<1280x8xf32>
    %sub3A = arith.subf %slice3A_8, %slice3A_9 : vector<1280x3xf32>
    %mul3A = arith.mulf %sub3A, %sub3A : vector<1280x3xf32>
    %reduce_sum3A = arith.constant dense<0.000000e+00> : vector<1280xf32>
    %reduce_sum3A_11 = vector.multi_reduction <add>, %mul3A, %reduce_sum3A [1] : vector<1280x3xf32> to vector<1280xf32>
    %broadcast_in_dim3A = vector.shape_cast %reduce_sum3A_11 : vector<1280xf32> to vector<1280x1xf32>
    %max3A = arith.constant 9.99999996E-13 : f32
    %max3A_12 = vector.broadcast %max3A : f32 to vector<1280x1xf32>
    %max3A_13 = arith.maximumf %broadcast_in_dim3A, %max3A_12 : vector<1280x1xf32>
    %sqrt3A = math.sqrt %max3A_13 : vector<1280x1xf32>
    %div3A = vector.broadcast %sqrt3A : vector<1280x1xf32> to vector<1280x3xf32>
    %div3A_14 = arith.divf %sub3A, %div3A : vector<1280x3xf32>
    %iota3A = tpu.iota {dimensions = array<i32: 1>} : vector<1x32xi32>
    %convert_element_type3A = arith.sitofp %iota3A : vector<1x32xi32> to vector<1x32xf32>
    %add3A = arith.constant 1.000000e+00 : f32
    %add3A_15 = vector.broadcast %add3A : f32 to vector<1x32xf32>
    %add3A_16 = arith.addf %convert_element_type3A, %add3A_15 : vector<1x32xf32>
    %mul3A_17 = arith.constant 3.14159274 : f32
    %mul3A_18 = vector.broadcast %mul3A_17 : f32 to vector<1x32xf32>
    %mul3A_19 = arith.mulf %add3A_16, %mul3A_18 : vector<1x32xf32>
    %gt3A = arith.constant 9.99999997E-7 : f32
    %gt3A_20 = vector.broadcast %gt3A : f32 to vector<1280x1xf32>
    %gt3A_21 = arith.cmpf ogt, %sqrt3A, %gt3A_20 : vector<1280x1xf32>
    %jit3A = arith.constant 1.000000e+00 : f32
    %broadcast_in_dim3A_22 = vector.broadcast %jit3A : f32 to vector<1280x1xf32>
    %select_n3A = arith.select %gt3A_21, %sqrt3A, %broadcast_in_dim3A_22 : vector<1280x1xi1>, vector<1280x1xf32>
    %gt3A_23 = arith.constant 9.99999997E-7 : f32
    %gt3A_24 = vector.broadcast %gt3A_23 : f32 to vector<1280x1xf32>
    %gt3A_25 = arith.cmpf ogt, %sqrt3A, %gt3A_24 : vector<1280x1xf32>
    %lt3A = arith.constant 2.500000e+00 : f32
    %lt3A_26 = vector.broadcast %lt3A : f32 to vector<1280x1xf32>
    %lt3A_27 = arith.cmpf olt, %sqrt3A, %lt3A_26 : vector<1280x1xf32>
    %and3A = arith.andi %gt3A_25, %lt3A_27 : vector<1280x1xi1>
    %convert_element_type3A_28 = arith.extui %and3A : vector<1280x1xi1> to vector<1280x1xi32>
    %convert_element_type3A_29 = arith.sitofp %convert_element_type3A_28 : vector<1280x1xi32> to vector<1280x1xf32>
    %div3A_30 = arith.constant 2.500000e+00 : f32
    %div3A_31 = vector.broadcast %div3A_30 : f32 to vector<1280x1xf32>
    %div3A_32 = arith.divf %sqrt3A, %div3A_31 : vector<1280x1xf32>
    %mul3A_33 = vector.broadcast %mul3A_19 : vector<1x32xf32> to vector<1280x32xf32>
    %mul3A_34 = vector.broadcast %div3A_32 : vector<1280x1xf32> to vector<1280x32xf32>
    %mul3A_35 = arith.mulf %mul3A_33, %mul3A_34 : vector<1280x32xf32>
    %sin3A = math.sin %mul3A_35 : vector<1280x32xf32>
    %mul3A_36 = arith.constant 5.05964422 : f32
    %mul3A_37 = vector.broadcast %mul3A_36 : f32 to vector<1280x32xf32>
    %mul3A_38 = arith.mulf %mul3A_37, %sin3A : vector<1280x32xf32>
    %div3A_39 = vector.broadcast %select_n3A : vector<1280x1xf32> to vector<1280x32xf32>
    %div3A_40 = arith.divf %mul3A_38, %div3A_39 : vector<1280x32xf32>
    %mul3A_41 = vector.broadcast %convert_element_type3A_29 : vector<1280x1xf32> to vector<1280x32xf32>
    %mul3A_42 = arith.mulf %div3A_40, %mul3A_41 : vector<1280x32xf32>
    %get3A_43 = arith.constant 0 : index
    %get3A_44 = arith.constant 0 : index
    %get3A_45 = vector.load %arg5[%get3A_43, %get3A_44] : memref<32x16xf32, #tpu.memory_space<vmem>>, vector<32x16xf32>
    %dot_general3A = arith.constant dense<0.000000e+00> : vector<1280x16xf32>
    %dot_general3A_46 = tpu.matmul %mul3A_42, %get3A_45, %dot_general3A {dimension_numbers = #tpu.dot_dimension_numbers<[1], [0], [0], [1], [0, 0, 1, 1], [], []>, transpose_lhs_hint = false} : vector<1280x32xf32>, vector<32x16xf32>, vector<1280x16xf32> -> vector<1280x16xf32>
    %div3A_47 = arith.constant 5.65685415 : f32
    %div3A_48 = vector.broadcast %div3A_47 : f32 to vector<1280x16xf32>
    %div3A_49 = arith.divf %dot_general3A_46, %div3A_48 : vector<1280x16xf32>
    %logistic3A = arith.negf %div3A_49 : vector<1280x16xf32>
    %logistic3A_50 = math.exp %logistic3A : vector<1280x16xf32>
    %logistic3A_51 = arith.constant 1.000000e+00 : f32
    %logistic3A_52 = vector.broadcast %logistic3A_51 : f32 to vector<1280x16xf32>
    %logistic3A_53 = arith.addf %logistic3A_52, %logistic3A_50 : vector<1280x16xf32>
    %logistic3A_54 = arith.divf %logistic3A_52, %logistic3A_53 : vector<1280x16xf32>
    %mul3A_55 = arith.mulf %div3A_49, %logistic3A_54 : vector<1280x16xf32>
    %get3A_56 = arith.constant 0 : index
    %get3A_57 = arith.constant 0 : index
    %get3A_58 = vector.load %arg6[%get3A_56, %get3A_57] : memref<16x128xf32, #tpu.memory_space<vmem>>, vector<16x128xf32>
    %dot_general3A_59 = arith.constant dense<0.000000e+00> : vector<1280x128xf32>
    %dot_general3A_60 = tpu.matmul %mul3A_55, %get3A_58, %dot_general3A_59 {dimension_numbers = #tpu.dot_dimension_numbers<[1], [0], [0], [1], [0, 0, 1, 1], [], []>, transpose_lhs_hint = false} : vector<1280x16xf32>, vector<16x128xf32>, vector<1280x128xf32> -> vector<1280x128xf32>
    %div3A_61 = arith.constant 4.000000e+00 : f32
    %div3A_62 = vector.broadcast %div3A_61 : f32 to vector<1280x128xf32>
    %div3A_63 = arith.divf %dot_general3A_60, %div3A_62 : vector<1280x128xf32>
    %get3A_64 = arith.constant 0 : index
    %get3A_65 = arith.constant 0 : index
    %get3A_66 = vector.load %arg7[%get3A_64, %get3A_65] : memref<32x16xf32, #tpu.memory_space<vmem>>, vector<32x16xf32>
    %dot_general3A_67 = arith.constant dense<0.000000e+00> : vector<1280x16xf32>
    %dot_general3A_68 = tpu.matmul %mul3A_42, %get3A_66, %dot_general3A_67 {dimension_numbers = #tpu.dot_dimension_numbers<[1], [0], [0], [1], [0, 0, 1, 1], [], []>, transpose_lhs_hint = false} : vector<1280x32xf32>, vector<32x16xf32>, vector<1280x16xf32> -> vector<1280x16xf32>
    %div3A_69 = arith.constant 5.65685415 : f32
    %div3A_70 = vector.broadcast %div3A_69 : f32 to vector<1280x16xf32>
    %div3A_71 = arith.divf %dot_general3A_68, %div3A_70 : vector<1280x16xf32>
    %logistic3A_72 = arith.negf %div3A_71 : vector<1280x16xf32>
    %logistic3A_73 = math.exp %logistic3A_72 : vector<1280x16xf32>
    %logistic3A_74 = arith.constant 1.000000e+00 : f32
    %logistic3A_75 = vector.broadcast %logistic3A_74 : f32 to vector<1280x16xf32>
    %logistic3A_76 = arith.addf %logistic3A_75, %logistic3A_73 : vector<1280x16xf32>
    %logistic3A_77 = arith.divf %logistic3A_75, %logistic3A_76 : vector<1280x16xf32>
    %mul3A_78 = arith.mulf %div3A_71, %logistic3A_77 : vector<1280x16xf32>
    %get3A_79 = arith.constant 0 : index
    %get3A_80 = arith.constant 0 : index
    %get3A_81 = vector.load %arg8[%get3A_79, %get3A_80] : memref<16x128xf32, #tpu.memory_space<vmem>>, vector<16x128xf32>
    %dot_general3A_82 = arith.constant dense<0.000000e+00> : vector<1280x128xf32>
    %dot_general3A_83 = tpu.matmul %mul3A_78, %get3A_81, %dot_general3A_82 {dimension_numbers = #tpu.dot_dimension_numbers<[1], [0], [0], [1], [0, 0, 1, 1], [], []>, transpose_lhs_hint = false} : vector<1280x16xf32>, vector<16x128xf32>, vector<1280x128xf32> -> vector<1280x128xf32>
    %div3A_84 = arith.constant 4.000000e+00 : f32
    %div3A_85 = vector.broadcast %div3A_84 : f32 to vector<1280x128xf32>
    %div3A_86 = arith.divf %dot_general3A_83, %div3A_85 : vector<1280x128xf32>
    %slice3A_87 = vector.extract_strided_slice %div3A_14 {offsets = [0, 0], sizes = [1280, 1], strides = [1, 1]} : vector<1280x3xf32> to vector<1280x1xf32>
    %slice3A_88 = vector.extract_strided_slice %div3A_14 {offsets = [0, 1], sizes = [1280, 1], strides = [1, 1]} : vector<1280x3xf32> to vector<1280x1xf32>
    %slice3A_89 = vector.extract_strided_slice %div3A_14 {offsets = [0, 2], sizes = [1280, 1], strides = [1, 1]} : vector<1280x3xf32> to vector<1280x1xf32>
    %mul3A_90 = vector.broadcast %slice3A_87 : vector<1280x1xf32> to vector<1280x8xf32>
    %mul3A_91 = arith.mulf %slice3A_5, %mul3A_90 : vector<1280x8xf32>
    %mul3A_92 = vector.broadcast %slice3A_88 : vector<1280x1xf32> to vector<1280x8xf32>
    %mul3A_93 = arith.mulf %slice3A_6, %mul3A_92 : vector<1280x8xf32>
    %add3A_94 = arith.addf %mul3A_91, %mul3A_93 : vector<1280x8xf32>
    %mul3A_95 = vector.broadcast %slice3A_89 : vector<1280x1xf32> to vector<1280x8xf32>
    %mul3A_96 = arith.mulf %slice3A_7, %mul3A_95 : vector<1280x8xf32>
    %add3A_97 = arith.addf %add3A_94, %mul3A_96 : vector<1280x8xf32>
    %broadcast_in_dim3A_98 = arith.constant 0.000000e+00 : f32
    %broadcast_in_dim3A_99 = vector.broadcast %broadcast_in_dim3A_98 : f32 to vector<1280x8xf32>
    %broadcast_in_dim3A_100 = arith.constant 0.000000e+00 : f32
    %broadcast_in_dim3A_101 = vector.broadcast %broadcast_in_dim3A_100 : f32 to vector<1280x8xf32>
    %slice3A_102 = vector.extract_strided_slice %slice3A {offsets = [0, 0], sizes = [1280, 1], strides = [1, 1]} : vector<1280x8xf32> to vector<1280x1xf32>
    %slice3A_103 = vector.extract_strided_slice %add3A_97 {offsets = [0, 0], sizes = [1280, 1], strides = [1, 1]} : vector<1280x8xf32> to vector<1280x1xf32>
    %slice3A_104 = vector.extract_strided_slice %div3A_63 {offsets = [0, 0], sizes = [1280, 8], strides = [1, 1]} : vector<1280x128xf32> to vector<1280x8xf32>
    %mul3A_105 = vector.broadcast %slice3A_102 : vector<1280x1xf32> to vector<1280x8xf32>
    %mul3A_106 = arith.mulf %mul3A_105, %slice3A_104 : vector<1280x8xf32>
    %add3A_107 = arith.addf %broadcast_in_dim3A_99, %mul3A_106 : vector<1280x8xf32>
    %slice3A_108 = vector.extract_strided_slice %div3A_63 {offsets = [0, 64], sizes = [1280, 8], strides = [1, 1]} : vector<1280x128xf32> to vector<1280x8xf32>
    %mul3A_109 = vector.broadcast %slice3A_103 : vector<1280x1xf32> to vector<1280x8xf32>
    %mul3A_110 = arith.mulf %mul3A_109, %slice3A_108 : vector<1280x8xf32>
    %add3A_111 = arith.addf %add3A_107, %mul3A_110 : vector<1280x8xf32>
    %slice3A_112 = vector.extract_strided_slice %div3A_86 {offsets = [0, 0], sizes = [1280, 8], strides = [1, 1]} : vector<1280x128xf32> to vector<1280x8xf32>
    %mul3A_113 = vector.broadcast %slice3A_102 : vector<1280x1xf32> to vector<1280x8xf32>
    %mul3A_114 = arith.mulf %mul3A_113, %slice3A_112 : vector<1280x8xf32>
    %add3A_115 = arith.addf %broadcast_in_dim3A_101, %mul3A_114 : vector<1280x8xf32>
    %slice3A_116 = vector.extract_strided_slice %div3A_86 {offsets = [0, 64], sizes = [1280, 8], strides = [1, 1]} : vector<1280x128xf32> to vector<1280x8xf32>
    %mul3A_117 = vector.broadcast %slice3A_103 : vector<1280x1xf32> to vector<1280x8xf32>
    %mul3A_118 = arith.mulf %mul3A_117, %slice3A_116 : vector<1280x8xf32>
    %add3A_119 = arith.addf %add3A_115, %mul3A_118 : vector<1280x8xf32>
    %slice3A_120 = vector.extract_strided_slice %slice3A {offsets = [0, 1], sizes = [1280, 1], strides = [1, 1]} : vector<1280x8xf32> to vector<1280x1xf32>
    %slice3A_121 = vector.extract_strided_slice %add3A_97 {offsets = [0, 1], sizes = [1280, 1], strides = [1, 1]} : vector<1280x8xf32> to vector<1280x1xf32>
    %slice3A_122 = vector.extract_strided_slice %div3A_63 {offsets = [0, 8], sizes = [1280, 8], strides = [1, 1]} : vector<1280x128xf32> to vector<1280x8xf32>
    %mul3A_123 = vector.broadcast %slice3A_120 : vector<1280x1xf32> to vector<1280x8xf32>
    %mul3A_124 = arith.mulf %mul3A_123, %slice3A_122 : vector<1280x8xf32>
    %add3A_125 = arith.addf %add3A_111, %mul3A_124 : vector<1280x8xf32>
    %slice3A_126 = vector.extract_strided_slice %div3A_63 {offsets = [0, 72], sizes = [1280, 8], strides = [1, 1]} : vector<1280x128xf32> to vector<1280x8xf32>
    %mul3A_127 = vector.broadcast %slice3A_121 : vector<1280x1xf32> to vector<1280x8xf32>
    %mul3A_128 = arith.mulf %mul3A_127, %slice3A_126 : vector<1280x8xf32>
    %add3A_129 = arith.addf %add3A_125, %mul3A_128 : vector<1280x8xf32>
    %slice3A_130 = vector.extract_strided_slice %div3A_86 {offsets = [0, 8], sizes = [1280, 8], strides = [1, 1]} : vector<1280x128xf32> to vector<1280x8xf32>
    %mul3A_131 = vector.broadcast %slice3A_120 : vector<1280x1xf32> to vector<1280x8xf32>
    %mul3A_132 = arith.mulf %mul3A_131, %slice3A_130 : vector<1280x8xf32>
    %add3A_133 = arith.addf %add3A_119, %mul3A_132 : vector<1280x8xf32>
    %slice3A_134 = vector.extract_strided_slice %div3A_86 {offsets = [0, 72], sizes = [1280, 8], strides = [1, 1]} : vector<1280x128xf32> to vector<1280x8xf32>
    %mul3A_135 = vector.broadcast %slice3A_121 : vector<1280x1xf32> to vector<1280x8xf32>
    %mul3A_136 = arith.mulf %mul3A_135, %slice3A_134 : vector<1280x8xf32>
    %add3A_137 = arith.addf %add3A_133, %mul3A_136 : vector<1280x8xf32>
    %slice3A_138 = vector.extract_strided_slice %slice3A {offsets = [0, 2], sizes = [1280, 1], strides = [1, 1]} : vector<1280x8xf32> to vector<1280x1xf32>
    %slice3A_139 = vector.extract_strided_slice %add3A_97 {offsets = [0, 2], sizes = [1280, 1], strides = [1, 1]} : vector<1280x8xf32> to vector<1280x1xf32>
    %slice3A_140 = vector.extract_strided_slice %div3A_63 {offsets = [0, 16], sizes = [1280, 8], strides = [1, 1]} : vector<1280x128xf32> to vector<1280x8xf32>
    %mul3A_141 = vector.broadcast %slice3A_138 : vector<1280x1xf32> to vector<1280x8xf32>
    %mul3A_142 = arith.mulf %mul3A_141, %slice3A_140 : vector<1280x8xf32>
    %add3A_143 = arith.addf %add3A_129, %mul3A_142 : vector<1280x8xf32>
    %slice3A_144 = vector.extract_strided_slice %div3A_63 {offsets = [0, 80], sizes = [1280, 8], strides = [1, 1]} : vector<1280x128xf32> to vector<1280x8xf32>
    %mul3A_145 = vector.broadcast %slice3A_139 : vector<1280x1xf32> to vector<1280x8xf32>
    %mul3A_146 = arith.mulf %mul3A_145, %slice3A_144 : vector<1280x8xf32>
    %add3A_147 = arith.addf %add3A_143, %mul3A_146 : vector<1280x8xf32>
    %slice3A_148 = vector.extract_strided_slice %div3A_86 {offsets = [0, 16], sizes = [1280, 8], strides = [1, 1]} : vector<1280x128xf32> to vector<1280x8xf32>
    %mul3A_149 = vector.broadcast %slice3A_138 : vector<1280x1xf32> to vector<1280x8xf32>
    %mul3A_150 = arith.mulf %mul3A_149, %slice3A_148 : vector<1280x8xf32>
    %add3A_151 = arith.addf %add3A_137, %mul3A_150 : vector<1280x8xf32>
    %slice3A_152 = vector.extract_strided_slice %div3A_86 {offsets = [0, 80], sizes = [1280, 8], strides = [1, 1]} : vector<1280x128xf32> to vector<1280x8xf32>
    %mul3A_153 = vector.broadcast %slice3A_139 : vector<1280x1xf32> to vector<1280x8xf32>
    %mul3A_154 = arith.mulf %mul3A_153, %slice3A_152 : vector<1280x8xf32>
    %add3A_155 = arith.addf %add3A_151, %mul3A_154 : vector<1280x8xf32>
    %slice3A_156 = vector.extract_strided_slice %slice3A {offsets = [0, 3], sizes = [1280, 1], strides = [1, 1]} : vector<1280x8xf32> to vector<1280x1xf32>
    %slice3A_157 = vector.extract_strided_slice %add3A_97 {offsets = [0, 3], sizes = [1280, 1], strides = [1, 1]} : vector<1280x8xf32> to vector<1280x1xf32>
    %slice3A_158 = vector.extract_strided_slice %div3A_63 {offsets = [0, 24], sizes = [1280, 8], strides = [1, 1]} : vector<1280x128xf32> to vector<1280x8xf32>
    %mul3A_159 = vector.broadcast %slice3A_156 : vector<1280x1xf32> to vector<1280x8xf32>
    %mul3A_160 = arith.mulf %mul3A_159, %slice3A_158 : vector<1280x8xf32>
    %add3A_161 = arith.addf %add3A_147, %mul3A_160 : vector<1280x8xf32>
    %slice3A_162 = vector.extract_strided_slice %div3A_63 {offsets = [0, 88], sizes = [1280, 8], strides = [1, 1]} : vector<1280x128xf32> to vector<1280x8xf32>
    %mul3A_163 = vector.broadcast %slice3A_157 : vector<1280x1xf32> to vector<1280x8xf32>
    %mul3A_164 = arith.mulf %mul3A_163, %slice3A_162 : vector<1280x8xf32>
    %add3A_165 = arith.addf %add3A_161, %mul3A_164 : vector<1280x8xf32>
    %slice3A_166 = vector.extract_strided_slice %div3A_86 {offsets = [0, 24], sizes = [1280, 8], strides = [1, 1]} : vector<1280x128xf32> to vector<1280x8xf32>
    %mul3A_167 = vector.broadcast %slice3A_156 : vector<1280x1xf32> to vector<1280x8xf32>
    %mul3A_168 = arith.mulf %mul3A_167, %slice3A_166 : vector<1280x8xf32>
    %add3A_169 = arith.addf %add3A_155, %mul3A_168 : vector<1280x8xf32>
    %slice3A_170 = vector.extract_strided_slice %div3A_86 {offsets = [0, 88], sizes = [1280, 8], strides = [1, 1]} : vector<1280x128xf32> to vector<1280x8xf32>
    %mul3A_171 = vector.broadcast %slice3A_157 : vector<1280x1xf32> to vector<1280x8xf32>
    %mul3A_172 = arith.mulf %mul3A_171, %slice3A_170 : vector<1280x8xf32>
    %add3A_173 = arith.addf %add3A_169, %mul3A_172 : vector<1280x8xf32>
    %slice3A_174 = vector.extract_strided_slice %slice3A {offsets = [0, 4], sizes = [1280, 1], strides = [1, 1]} : vector<1280x8xf32> to vector<1280x1xf32>
    %slice3A_175 = vector.extract_strided_slice %add3A_97 {offsets = [0, 4], sizes = [1280, 1], strides = [1, 1]} : vector<1280x8xf32> to vector<1280x1xf32>
    %slice3A_176 = vector.extract_strided_slice %div3A_63 {offsets = [0, 32], sizes = [1280, 8], strides = [1, 1]} : vector<1280x128xf32> to vector<1280x8xf32>
    %mul3A_177 = vector.broadcast %slice3A_174 : vector<1280x1xf32> to vector<1280x8xf32>
    %mul3A_178 = arith.mulf %mul3A_177, %slice3A_176 : vector<1280x8xf32>
    %add3A_179 = arith.addf %add3A_165, %mul3A_178 : vector<1280x8xf32>
    %slice3A_180 = vector.extract_strided_slice %div3A_63 {offsets = [0, 96], sizes = [1280, 8], strides = [1, 1]} : vector<1280x128xf32> to vector<1280x8xf32>
    %mul3A_181 = vector.broadcast %slice3A_175 : vector<1280x1xf32> to vector<1280x8xf32>
    %mul3A_182 = arith.mulf %mul3A_181, %slice3A_180 : vector<1280x8xf32>
    %add3A_183 = arith.addf %add3A_179, %mul3A_182 : vector<1280x8xf32>
    %slice3A_184 = vector.extract_strided_slice %div3A_86 {offsets = [0, 32], sizes = [1280, 8], strides = [1, 1]} : vector<1280x128xf32> to vector<1280x8xf32>
    %mul3A_185 = vector.broadcast %slice3A_174 : vector<1280x1xf32> to vector<1280x8xf32>
    %mul3A_186 = arith.mulf %mul3A_185, %slice3A_184 : vector<1280x8xf32>
    %add3A_187 = arith.addf %add3A_173, %mul3A_186 : vector<1280x8xf32>
    %slice3A_188 = vector.extract_strided_slice %div3A_86 {offsets = [0, 96], sizes = [1280, 8], strides = [1, 1]} : vector<1280x128xf32> to vector<1280x8xf32>
    %mul3A_189 = vector.broadcast %slice3A_175 : vector<1280x1xf32> to vector<1280x8xf32>
    %mul3A_190 = arith.mulf %mul3A_189, %slice3A_188 : vector<1280x8xf32>
    %add3A_191 = arith.addf %add3A_187, %mul3A_190 : vector<1280x8xf32>
    %slice3A_192 = vector.extract_strided_slice %slice3A {offsets = [0, 5], sizes = [1280, 1], strides = [1, 1]} : vector<1280x8xf32> to vector<1280x1xf32>
    %slice3A_193 = vector.extract_strided_slice %add3A_97 {offsets = [0, 5], sizes = [1280, 1], strides = [1, 1]} : vector<1280x8xf32> to vector<1280x1xf32>
    %slice3A_194 = vector.extract_strided_slice %div3A_63 {offsets = [0, 40], sizes = [1280, 8], strides = [1, 1]} : vector<1280x128xf32> to vector<1280x8xf32>
    %mul3A_195 = vector.broadcast %slice3A_192 : vector<1280x1xf32> to vector<1280x8xf32>
    %mul3A_196 = arith.mulf %mul3A_195, %slice3A_194 : vector<1280x8xf32>
    %add3A_197 = arith.addf %add3A_183, %mul3A_196 : vector<1280x8xf32>
    %slice3A_198 = vector.extract_strided_slice %div3A_63 {offsets = [0, 104], sizes = [1280, 8], strides = [1, 1]} : vector<1280x128xf32> to vector<1280x8xf32>
    %mul3A_199 = vector.broadcast %slice3A_193 : vector<1280x1xf32> to vector<1280x8xf32>
    %mul3A_200 = arith.mulf %mul3A_199, %slice3A_198 : vector<1280x8xf32>
    %add3A_201 = arith.addf %add3A_197, %mul3A_200 : vector<1280x8xf32>
    %slice3A_202 = vector.extract_strided_slice %div3A_86 {offsets = [0, 40], sizes = [1280, 8], strides = [1, 1]} : vector<1280x128xf32> to vector<1280x8xf32>
    %mul3A_203 = vector.broadcast %slice3A_192 : vector<1280x1xf32> to vector<1280x8xf32>
    %mul3A_204 = arith.mulf %mul3A_203, %slice3A_202 : vector<1280x8xf32>
    %add3A_205 = arith.addf %add3A_191, %mul3A_204 : vector<1280x8xf32>
    %slice3A_206 = vector.extract_strided_slice %div3A_86 {offsets = [0, 104], sizes = [1280, 8], strides = [1, 1]} : vector<1280x128xf32> to vector<1280x8xf32>
    %mul3A_207 = vector.broadcast %slice3A_193 : vector<1280x1xf32> to vector<1280x8xf32>
    %mul3A_208 = arith.mulf %mul3A_207, %slice3A_206 : vector<1280x8xf32>
    %add3A_209 = arith.addf %add3A_205, %mul3A_208 : vector<1280x8xf32>
    %slice3A_210 = vector.extract_strided_slice %slice3A {offsets = [0, 6], sizes = [1280, 1], strides = [1, 1]} : vector<1280x8xf32> to vector<1280x1xf32>
    %slice3A_211 = vector.extract_strided_slice %add3A_97 {offsets = [0, 6], sizes = [1280, 1], strides = [1, 1]} : vector<1280x8xf32> to vector<1280x1xf32>
    %slice3A_212 = vector.extract_strided_slice %div3A_63 {offsets = [0, 48], sizes = [1280, 8], strides = [1, 1]} : vector<1280x128xf32> to vector<1280x8xf32>
    %mul3A_213 = vector.broadcast %slice3A_210 : vector<1280x1xf32> to vector<1280x8xf32>
    %mul3A_214 = arith.mulf %mul3A_213, %slice3A_212 : vector<1280x8xf32>
    %add3A_215 = arith.addf %add3A_201, %mul3A_214 : vector<1280x8xf32>
    %slice3A_216 = vector.extract_strided_slice %div3A_63 {offsets = [0, 112], sizes = [1280, 8], strides = [1, 1]} : vector<1280x128xf32> to vector<1280x8xf32>
    %mul3A_217 = vector.broadcast %slice3A_211 : vector<1280x1xf32> to vector<1280x8xf32>
    %mul3A_218 = arith.mulf %mul3A_217, %slice3A_216 : vector<1280x8xf32>
    %add3A_219 = arith.addf %add3A_215, %mul3A_218 : vector<1280x8xf32>
    %slice3A_220 = vector.extract_strided_slice %div3A_86 {offsets = [0, 48], sizes = [1280, 8], strides = [1, 1]} : vector<1280x128xf32> to vector<1280x8xf32>
    %mul3A_221 = vector.broadcast %slice3A_210 : vector<1280x1xf32> to vector<1280x8xf32>
    %mul3A_222 = arith.mulf %mul3A_221, %slice3A_220 : vector<1280x8xf32>
    %add3A_223 = arith.addf %add3A_209, %mul3A_222 : vector<1280x8xf32>
    %slice3A_224 = vector.extract_strided_slice %div3A_86 {offsets = [0, 112], sizes = [1280, 8], strides = [1, 1]} : vector<1280x128xf32> to vector<1280x8xf32>
    %mul3A_225 = vector.broadcast %slice3A_211 : vector<1280x1xf32> to vector<1280x8xf32>
    %mul3A_226 = arith.mulf %mul3A_225, %slice3A_224 : vector<1280x8xf32>
    %add3A_227 = arith.addf %add3A_223, %mul3A_226 : vector<1280x8xf32>
    %slice3A_228 = vector.extract_strided_slice %slice3A {offsets = [0, 7], sizes = [1280, 1], strides = [1, 1]} : vector<1280x8xf32> to vector<1280x1xf32>
    %slice3A_229 = vector.extract_strided_slice %add3A_97 {offsets = [0, 7], sizes = [1280, 1], strides = [1, 1]} : vector<1280x8xf32> to vector<1280x1xf32>
    %slice3A_230 = vector.extract_strided_slice %div3A_63 {offsets = [0, 56], sizes = [1280, 8], strides = [1, 1]} : vector<1280x128xf32> to vector<1280x8xf32>
    %mul3A_231 = vector.broadcast %slice3A_228 : vector<1280x1xf32> to vector<1280x8xf32>
    %mul3A_232 = arith.mulf %mul3A_231, %slice3A_230 : vector<1280x8xf32>
    %add3A_233 = arith.addf %add3A_219, %mul3A_232 : vector<1280x8xf32>
    %slice3A_234 = vector.extract_strided_slice %div3A_63 {offsets = [0, 120], sizes = [1280, 8], strides = [1, 1]} : vector<1280x128xf32> to vector<1280x8xf32>
    %mul3A_235 = vector.broadcast %slice3A_229 : vector<1280x1xf32> to vector<1280x8xf32>
    %mul3A_236 = arith.mulf %mul3A_235, %slice3A_234 : vector<1280x8xf32>
    %add3A_237 = arith.addf %add3A_233, %mul3A_236 : vector<1280x8xf32>
    %slice3A_238 = vector.extract_strided_slice %div3A_86 {offsets = [0, 56], sizes = [1280, 8], strides = [1, 1]} : vector<1280x128xf32> to vector<1280x8xf32>
    %mul3A_239 = vector.broadcast %slice3A_228 : vector<1280x1xf32> to vector<1280x8xf32>
    %mul3A_240 = arith.mulf %mul3A_239, %slice3A_238 : vector<1280x8xf32>
    %add3A_241 = arith.addf %add3A_227, %mul3A_240 : vector<1280x8xf32>
    %slice3A_242 = vector.extract_strided_slice %div3A_86 {offsets = [0, 120], sizes = [1280, 8], strides = [1, 1]} : vector<1280x128xf32> to vector<1280x8xf32>
    %mul3A_243 = vector.broadcast %slice3A_229 : vector<1280x1xf32> to vector<1280x8xf32>
    %mul3A_244 = arith.mulf %mul3A_243, %slice3A_242 : vector<1280x8xf32>
    %add3A_245 = arith.addf %add3A_241, %mul3A_244 : vector<1280x8xf32>
    %div3A_246 = arith.constant 4.000000e+00 : f32
    %div3A_247 = vector.broadcast %div3A_246 : f32 to vector<1280x8xf32>
    %div3A_248 = arith.divf %add3A_237, %div3A_247 : vector<1280x8xf32>
    %div3A_249 = arith.constant 4.000000e+00 : f32
    %div3A_250 = vector.broadcast %div3A_249 : f32 to vector<1280x8xf32>
    %div3A_251 = arith.divf %add3A_245, %div3A_250 : vector<1280x8xf32>
    %get3A_252 = arith.constant 0 : index
    %get3A_253 = arith.constant 0 : index
    %get3A_254 = vector.load %arg3[%get3A_252, %get3A_253] : memref<8x8xf32, #tpu.memory_space<vmem>>, vector<8x8xf32>
    %dot_general3A_255 = arith.constant dense<0.000000e+00> : vector<1280x8xf32>
    %dot_general3A_256 = tpu.matmul %slice3A_10, %get3A_254, %dot_general3A_255 {dimension_numbers = #tpu.dot_dimension_numbers<[1], [0], [0], [1], [0, 0, 1, 1], [], []>, transpose_lhs_hint = false} : vector<1280x8xf32>, vector<8x8xf32>, vector<1280x8xf32> -> vector<1280x8xf32>
    %div3A_257 = arith.constant 2.82842708 : f32
    %div3A_258 = vector.broadcast %div3A_257 : f32 to vector<1280x8xf32>
    %div3A_259 = arith.divf %dot_general3A_256, %div3A_258 : vector<1280x8xf32>
    %get3A_260 = arith.constant 0 : index
    %get3A_261 = arith.constant 0 : index
    %get3A_262 = vector.load %arg4[%get3A_260, %get3A_261] : memref<8x8xf32, #tpu.memory_space<vmem>>, vector<8x8xf32>
    %dot_general3A_263 = arith.constant dense<0.000000e+00> : vector<1280x8xf32>
    %dot_general3A_264 = tpu.matmul %div3A_259, %get3A_262, %dot_general3A_263 {dimension_numbers = #tpu.dot_dimension_numbers<[1], [0], [0], [1], [0, 0, 1, 1], [], []>, transpose_lhs_hint = false} : vector<1280x8xf32>, vector<8x8xf32>, vector<1280x8xf32> -> vector<1280x8xf32>
    %mul3A_265 = arith.mulf %dot_general3A_264, %div3A_248 : vector<1280x8xf32>
    %reduce_sum3A_266 = arith.constant dense<0.000000e+00> : vector<1280xf32>
    %reduce_sum3A_267 = vector.multi_reduction <add>, %mul3A_265, %reduce_sum3A_266 [1] : vector<1280x8xf32> to vector<1280xf32>
    %div3A_268 = arith.constant 8.000000e+00 : f32
    %div3A_269 = vector.broadcast %div3A_268 : f32 to vector<1280xf32>
    %div3A_270 = arith.divf %reduce_sum3A_267, %div3A_269 : vector<1280xf32>
    %mul3A_271 = arith.constant 1280 : i32
    %mul3A_272 = arith.muli %arg0, %mul3A_271 : i32
    %iota3A_273 = tpu.iota {dimensions = array<i32: 1>} : vector<1x1280xi32>
    %iota3A_274 = vector.shape_cast %iota3A_273 : vector<1x1280xi32> to vector<1280xi32>
    %add3A_275 = vector.broadcast %mul3A_272 : i32 to vector<1280xi32>
    %add3A_276 = arith.addi %add3A_275, %iota3A_274 : vector<1280xi32>
    %lt3A_277 = arith.constant 160000 : i32
    %lt3A_278 = vector.broadcast %lt3A_277 : i32 to vector<1280xi32>
    %lt3A_279 = arith.cmpi slt, %add3A_276, %lt3A_278 : vector<1280xi32>
    %jit3A_280 = arith.constant -1.000000e+30 : f32
    %broadcast_in_dim3A_281 = vector.broadcast %jit3A_280 : f32 to vector<1280xf32>
    %select_n3A_282 = arith.select %lt3A_279, %div3A_270, %broadcast_in_dim3A_281 : vector<1280xi1>, vector<1280xf32>
    %broadcast_in_dim3A_283 = vector.shape_cast %select_n3A_282 : vector<1280xf32> to vector<1x1280xf32>
    %swap3A = arith.constant 0 : index
    %swap3A_284 = arith.constant 0 : index
    %swap3A_285 = vector.load %arg9[%swap3A, %swap3A_284] : memref<1x1280xf32, #tpu.memory_space<vmem>>, vector<1x1280xf32>
    tpu.vector_store %arg9[%swap3A, %swap3A_284], %broadcast_in_dim3A_283 {strides = array<i32>} : memref<1x1280xf32, #tpu.memory_space<vmem>>, vector<1x1280xf32>,
    %transpose3A = tpu.transpose %div3A_251, [1, 0] : vector<1280x8xf32> -> vector<8x1280xf32>
    %swap3A_286 = arith.constant 0 : index
    %swap3A_287 = arith.constant 0 : index
    %swap3A_288 = vector.load %arg10[%swap3A_286, %swap3A_287] : memref<8x1280xf32, #tpu.memory_space<vmem>>, vector<8x1280xf32>
    tpu.vector_store %arg10[%swap3A_286, %swap3A_287], %transpose3A {strides = array<i32>} : memref<8x1280xf32, #tpu.memory_space<vmem>>, vector<8x1280xf32>,
    return
  }
  func.func @transform_0(%arg0: i32) -> (i32, i32) {
    %c0_i32 = arith.constant 0 : i32
    %c0_i32_0 = arith.constant 0 : i32
    return %arg0, %c0_i32 : i32, i32
  }
  func.func @transform_1(%arg0: i32) -> (i32, i32) {
    %c0_i32 = arith.constant 0 : i32
    %c0_i32_0 = arith.constant 0 : i32
    return %arg0, %c0_i32 : i32, i32
  }
  func.func @transform_2(%arg0: i32) -> (i32, i32) {
    %c0_i32 = arith.constant 0 : i32
    %c0_i32_0 = arith.constant 0 : i32
    %c0_i32_1 = arith.constant 0 : i32
    return %c0_i32, %c0_i32_0 : i32, i32
  }
  func.func @transform_3(%arg0: i32) -> (i32, i32) {
    %c0_i32 = arith.constant 0 : i32
    %c0_i32_0 = arith.constant 0 : i32
    %c0_i32_1 = arith.constant 0 : i32
    return %c0_i32, %c0_i32_0 : i32, i32
  }
  func.func @transform_4(%arg0: i32) -> (i32, i32) {
    %c0_i32 = arith.constant 0 : i32
    %c0_i32_0 = arith.constant 0 : i32
    %c0_i32_1 = arith.constant 0 : i32
    return %c0_i32, %c0_i32_0 : i32, i32
  }
  func.func @transform_5(%arg0: i32) -> (i32, i32) {
    %c0_i32 = arith.constant 0 : i32
    %c0_i32_0 = arith.constant 0 : i32
    %c0_i32_1 = arith.constant 0 : i32
    return %c0_i32, %c0_i32_0 : i32, i32
  }
  func.func @transform_6(%arg0: i32) -> (i32, i32) {
    %c0_i32 = arith.constant 0 : i32
    %c0_i32_0 = arith.constant 0 : i32
    %c0_i32_1 = arith.constant 0 : i32
    return %c0_i32, %c0_i32_0 : i32, i32
  }
  func.func @transform_7(%arg0: i32) -> (i32, i32) {
    %c0_i32 = arith.constant 0 : i32
    %c0_i32_0 = arith.constant 0 : i32
    %c0_i32_1 = arith.constant 0 : i32
    return %c0_i32, %c0_i32_0 : i32, i32
  }
  func.func @transform_8(%arg0: i32) -> (i32, i32) {
    %c0_i32 = arith.constant 0 : i32
    %c0_i32_0 = arith.constant 0 : i32
    return %c0_i32, %arg0 : i32, i32
  }
  func.func @transform_9(%arg0: i32) -> (i32, i32) {
    %c0_i32 = arith.constant 0 : i32
    %c0_i32_0 = arith.constant 0 : i32
    return %c0_i32, %arg0 : i32, i32
  }
}

module attributes {stable_mosaic.version = 14 : i64} {
  func.func @_final_body(%arg0: memref<2x10240x16xf32, #tpu.memory_space<vmem>>, %arg1: memref<10000x8xf32, #tpu.memory_space<vmem>>) attributes {dimension_semantics = [], scalar_prefetch = 0 : i64, scratch_operands = 0 : i64, tpu.core_type = #tpu.core_type<tc>} {
    %get3A = arith.constant 0 : index
    %get3A_0 = arith.constant 0 : index
    %get3A_1 = arith.constant 0 : index
    %get3A_2 = vector.load %arg0[%get3A, %get3A_0, %get3A_1] : memref<2x10240x16xf32, #tpu.memory_space<vmem>>, vector<1x10240x16xf32>
    %get3A_3 = vector.shape_cast %get3A_2 : vector<1x10240x16xf32> to vector<10240x16xf32>
    %get3A_4 = arith.constant 1 : index
    %get3A_5 = arith.constant 0 : index
    %get3A_6 = arith.constant 0 : index
    %get3A_7 = vector.load %arg0[%get3A_4, %get3A_5, %get3A_6] : memref<2x10240x16xf32, #tpu.memory_space<vmem>>, vector<1x10240x16xf32>
    %get3A_8 = vector.shape_cast %get3A_7 : vector<1x10240x16xf32> to vector<10240x16xf32>
    %slice3A = vector.extract_strided_slice %get3A_3 {offsets = [0, 0], sizes = [10000, 8], strides = [1, 1]} : vector<10240x16xf32> to vector<10000x8xf32>
    %slice3A_9 = vector.extract_strided_slice %get3A_8 {offsets = [0, 0], sizes = [10000, 8], strides = [1, 1]} : vector<10240x16xf32> to vector<10000x8xf32>
    %add3A = arith.addf %slice3A, %slice3A_9 : vector<10000x8xf32>
    %slice3A_10 = vector.extract_strided_slice %get3A_3 {offsets = [0, 8], sizes = [10000, 1], strides = [1, 1]} : vector<10240x16xf32> to vector<10000x1xf32>
    %slice3A_11 = vector.extract_strided_slice %get3A_8 {offsets = [0, 8], sizes = [10000, 1], strides = [1, 1]} : vector<10240x16xf32> to vector<10000x1xf32>
    %add3A_12 = arith.addf %slice3A_10, %slice3A_11 : vector<10000x1xf32>
    %gt3A = arith.constant 0.000000e+00 : f32
    %gt3A_13 = vector.broadcast %gt3A : f32 to vector<10000x1xf32>
    %gt3A_14 = arith.cmpf ogt, %add3A_12, %gt3A_13 : vector<10000x1xf32>
    %gt3A_15 = arith.constant 0.000000e+00 : f32
    %gt3A_16 = vector.broadcast %gt3A_15 : f32 to vector<10000x1xf32>
    %gt3A_17 = arith.cmpf ogt, %add3A_12, %gt3A_16 : vector<10000x1xf32>
    %jit3A = arith.constant 1.000000e+00 : f32
    %broadcast_in_dim3A = vector.broadcast %jit3A : f32 to vector<10000x1xf32>
    %select_n3A = arith.select %gt3A_17, %add3A_12, %broadcast_in_dim3A : vector<10000x1xi1>, vector<10000x1xf32>
    %rsqrt3A = math.rsqrt %select_n3A : vector<10000x1xf32>
    %jit3A_18 = arith.constant 0.000000e+00 : f32
    %broadcast_in_dim3A_19 = vector.broadcast %jit3A_18 : f32 to vector<10000x1xf32>
    %select_n3A_20 = arith.select %gt3A_14, %rsqrt3A, %broadcast_in_dim3A_19 : vector<10000x1xi1>, vector<10000x1xf32>
    %mul3A = vector.broadcast %select_n3A_20 : vector<10000x1xf32> to vector<10000x8xf32>
    %mul3A_21 = arith.mulf %add3A, %mul3A : vector<10000x8xf32>
    %swap3A = arith.constant 0 : index
    %swap3A_22 = arith.constant 0 : index
    %swap3A_23 = vector.load %arg1[%swap3A, %swap3A_22] : memref<10000x8xf32, #tpu.memory_space<vmem>>, vector<10000x8xf32>
    tpu.vector_store %arg1[%swap3A, %swap3A_22], %mul3A_21 {strides = array<i32>} : memref<10000x8xf32, #tpu.memory_space<vmem>>, vector<10000x8xf32>,
    return
  }
}

</mosaic_0001>

<sc_bundles>
// kernel: kernel.10.cloned.1.call-start
scs
__scs_entry_jumppad:
0x0: {  	(pc) =	sbr.rel $0x88, $3  }
0x1: {  	(tag) =	ssettag $0x0;
	lr =	simm.s32 $0x1  }
0x2: {  	[smem:$0x3F98] =	sst lr;
	_ =	strace $0xD0000000  }
0x3: {  	_ = 	snop  }
0x4: {  	_ = 	snop  }
0x5: {  	_ = 	snop  }
0x6: {  	_ = 	snop  }
0x7: {  	_ = 	snop  }
__scs_overlays_trampoline_lowered:
0x8: {  	[smem:$0x3FA7] =	sst s0  }
0x9: {  	[smem:$0x3FA8] =	sst s1  }
0xa: {  	[smem:$0x3FA9] =	sst s2  }
0xb: {  	[smem:$0x3FAA] =	sst s3  }
0xc: {  	[smem:$0x3FAB] =	sst s4  }
0xd: {  	[smem:$0x3FAC] =	sst s5  }
0xe: {  	[smem:$0x3FAD] =	sst s6  }
0xf: {  	[smem:$0x3FAE] =	sst s7  }
0x10: {  	[smem:$0x3FAF] =	sst s8  }
0x11: {  	[smem:$0x3FB0] =	sst s9;
	s0 =	simm.s32 @!p0 $0x0  }
0x12: {  	s1 =	sld [smem:$0x3F96];
	s0 =	simm.s32 @p0 $0x1  }
0x13: {  	[smem:$0x3FB1] =	sst s0;
	s0 =	simm.s32 @!p1 $0x0  }
0x14: {  	s2 =	sld [smem:$0x3F95];
	s0 =	simm.s32 @p1 $0x1  }
0x15: {  	[smem:$0x3FB2] =	sst s0;
	s0 =	simm.s32 @!p2 $0x0  }
0x16: {  	s3 =	sld [smem:$0x3FDB];
	s0 =	simm.s32 @p2 $0x1  }
0x17: {  	s4 =	simm.s32 $0x1BF5;
	[smem:$0x3FB4] =	sst s0  }
0x18: {  	s0 =	sld [smem:$0x3F97];
	_ =	swait.ge [sflag:s4], $0x0  }
0x19: {  	s7 =	sld [smem:$0x3F98]  }
0x1a: {  	s8 =	sadd.s32 $0xFFFFE003, lr  }
0x1b: {  	s9 =	sadd.s32 $0xFFFFFEF7, lr;
	s5 =	simm.s32 $0xFFFFFFFF;
	p2 =	slt.u32 s8, $0xFFFFF086  }
0x1c: {  	p1 =	slt.u32 s9, $0xF7A;
	s5 =	simm.s32 @!p2 $0x0  }
0x1d: {  	s5 =	simm.s32 @p1 $0x1;
	p0 =	seq.s32 s7, s2  }
0x1e: {  	s7 =	smul.u32 @!p0 $0xF7A, s2;
	p2 =	seq.s32 @!p0 s5, $0x0  }
0x1f: {  	s9 =	smul.u32 $0xF7A, s1;
	s8 =	simm.s32 @!p0 $0x1BF5;
	p2 =	por !p2, p0  }
0x20: {  	[sflag:s8] =	ssyncset.s32 @!p0 $0xFFFFF086;
	s6 =	sadd.s32 @!p0 s3, s7;
	s7 =	simm.s32 @!p0 $0x108  }
0x21: {  	s3 =	sadd.s32 s3, s9;
	s6 =	sadd.s32 @!p0 $0x88, s6;
	s7 =	simm.s32 @p2 $0x1082  }
0x22: {  	[simem:s7], [sflag:s8] =	dma.local @!p0 [hbm:s6], $0xF7A  }
0x23: {  	s9 =	sor.u32 $0xD0000000, s2;
	s6 =	simm.s32 $0x108;
	_ =	swait.ge @!p0 [sflag:s8], $0x0  }
0x24: {  	s3 =	sadd.s32 $0x88, s3;
	s6 =	simm.s32 @!p1 $0x1082;
	[sflag:s4] =	ssyncset.s32 $0xFFFFF086  }
0x25: {  	[simem:s6], [sflag:s4] =	dma.local [hbm:s3], $0xF7A  }
0x26: {  	[smem:$0x3F98] =	sst s1;
	(tag) =	ssettag s2;
	_ =	strace s9  }
0x27: {  	s1 =	sld [smem:$0x3FA8]  }
0x28: {  	s2 =	sld [smem:$0x3FA9]  }
0x29: {  	s4 =	sld [smem:$0x3FAB]  }
0x2a: {  	p0 =	seq.s32 s5, $0x0;
	s5 =	sld [smem:$0x3FAC]  }
0x2b: {  	s6 =	sld [smem:$0x3FAD]  }
0x2c: {  	s7 =	sld [smem:$0x3FAE]  }
0x2d: {  	s3 =	simm.s32 $0x108;
	s8 =	sld [smem:$0x3FAF]  }
0x2e: {  	s3 =	simm.s32 @!p0 $0x1082;
	s9 =	sld [smem:$0x3FB0]  }
0x2f: {  	lr =	sadd.s32 s0, s3;
	s0 =	sld [smem:$0x3FA7]  }
0x30: {  	s3 =	sld [smem:$0x3FAA]  }
0x31: {  	[smem:$0x3FB3] =	sst s10  }
0x32: {  	s10 =	sld [smem:$0x3FB1];
	_ =	sdelay $0x3  }
0x33: {  	p0 =	seq.s32 s10, $0x1;
	s10 =	sld [smem:$0x3FB3];
	_ =	sdelay $0x3  }
0x34: {  	[smem:$0x3FB3] =	sst s10  }
0x35: {  	s10 =	sld [smem:$0x3FB2];
	_ =	sdelay $0x3  }
0x36: {  	p1 =	seq.s32 s10, $0x1;
	s10 =	sld [smem:$0x3FB3];
	_ =	sdelay $0x3  }
0x37: {  	[smem:$0x3FB3] =	sst s10  }
0x38: {  	s10 =	sld [smem:$0x3FB4]  }
0x39: {  	_ = 	snop;
	(pc) =	sbr.ind lr, $3  }
0x3a: {  	_ = 	snop  }
0x3b: {  	_ = 	snop  }
0x3c: {  	p2 =	seq.s32 s10, $0x1;
	s10 =	sld [smem:$0x3FB3]  }
0x3d: {  	_ =	shalt  }
0x3e: {  	_ =	shalt  }
0x3f: {  	_ =	shalt  }
0x40: {  	_ =	shalt  }
0x41: {  	_ =	shalt  }
0x42: {  	_ =	shalt  }
0x43: {  	_ =	shalt  }
0x44: {  	_ =	shalt  }
0x45: {  	_ =	shalt  }
0x46: {  	_ =	shalt  }
0x47: {  	_ =	shalt  }
0x48: {  	_ =	shalt  }
0x49: {  	_ =	shalt  }
0x4a: {  	_ =	shalt  }
0x4b: {  	_ =	shalt  }
0x4c: {  	_ =	shalt  }
0x4d: {  	_ =	shalt  }
0x4e: {  	_ =	shalt  }
0x4f: {  	_ =	shalt  }
0x50: {  	_ =	shalt  }
0x51: {  	_ =	shalt  }
0x52: {  	_ =	shalt  }
0x53: {  	_ =	shalt  }
0x54: {  	_ =	shalt  }
0x55: {  	_ =	shalt  }
0x56: {  	_ =	shalt  }
0x57: {  	_ =	shalt  }
0x58: {  	_ =	shalt  }
0x59: {  	_ =	shalt  }
0x5a: {  	_ =	shalt  }
0x5b: {  	_ =	shalt  }
0x5c: {  	_ =	shalt  }
0x5d: {  	_ =	shalt  }
0x5e: {  	_ =	shalt  }
0x5f: {  	_ =	shalt  }
0x60: {  	_ =	shalt  }
0x61: {  	_ =	shalt  }
0x62: {  	_ =	shalt  }
0x63: {  	_ =	shalt  }
0x64: {  	_ =	shalt  }
0x65: {  	_ =	shalt  }
0x66: {  	_ =	shalt  }
0x67: {  	_ =	shalt  }
0x68: {  	_ =	shalt  }
0x69: {  	_ =	shalt  }
0x6a: {  	_ =	shalt  }
0x6b: {  	_ =	shalt  }
0x6c: {  	_ =	shalt  }
0x6d: {  	_ =	shalt  }
0x6e: {  	_ =	shalt  }
0x6f: {  	_ =	shalt  }
0x70: {  	_ =	shalt  }
0x71: {  	_ =	shalt  }
0x72: {  	_ =	shalt  }
0x73: {  	_ =	shalt  }
0x74: {  	_ =	shalt  }
0x75: {  	_ =	shalt  }
0x76: {  	_ =	shalt  }
0x77: {  	_ =	shalt  }
0x78: {  	_ =	shalt  }
0x79: {  	_ =	shalt  }
0x7a: {  	_ =	shalt  }
0x7b: {  	_ =	shalt  }
0x7c: {  	_ =	shalt  }
0x7d: {  	_ =	shalt  }
0x7e: {  	_ =	shalt  }
0x7f: {  	_ =	shalt  }
0x80: {  	_ =	shalt  }
0x81: {  	_ =	shalt  }
0x82: {  	_ =	shalt  }
0x83: {  	_ =	shalt  }
0x84: {  	_ =	shalt  }
0x85: {  	_ =	shalt  }
0x86: {  	_ =	shalt  }
0x87: {  	_ =	shalt  }
.Lfunc_end0:
.L_simem_size_0:
called_computation.1_lowered:
.L_overlay_start_0:
0x88: {  	s2 =	sld [smem:$0x3FD9]  }
0x89: {  	s3 =	sld [smem:$0x3FFE];
	_ =	sdelay $0x1  }
0x8a: {  	s1 =	srdreg.scid  }
0x8b: {  	s0 =	sand.u32 $0x1, s1  }
0x8c: {  	s17 =	sshll.u32 s0, $0xA;
	s2 =	sadd.s32 s3, s2  }
0x8d: {  	s2 =	sadd.s32 s2, s17  }
0x8e: {  	[smem:$0x3FBF] =	sst s2  }
0x8f: {  	_ = 	snop  }
0x90: {  	s2 =	sld [smem:$0x3FD0];
	(tm) =	ssettm $0x1  }
0x91: {  	s18 =	sld [smem:$0x3FFB];
	_ =	sdelay $0x3  }
0x92: {  	_ =	strace s18  }
0x93: {  	s3 =	sld [smem:$0x3FFC];
	_ =	sdelay $0x3  }
0x94: {  	_ =	strace s3  }
0x95: {  	s3 =	sld [smem:$0x3FFD];
	_ =	sdelay $0x3  }
0x96: {  	_ =	strace s3  }
0x97: {  	_ =	strace $0x8FFFFFFF  }
0x98: {  	s19 =	sld [smem:$0x3FDB];
	_ =	sdelay $0x1  }
0x99: {  	s4 =	simm.s32 $_scs_section_size  }
0x9a: {  	s5 =	simm.s32 $_size__tile_overlayer_lowered;
	s6 =	simm.s32 $_tile_overlayer_lowered  }
0x9b: {  	s22 =	simm.s32 $0x1BFF;
	s21 =	sshll.u32 s6, $0x1;
	s3 =	sadd.s32 s4, s19  }
0x9c: {  	s7 =	simm.s32 $0x0;
	s20 =	sshll.u32 s5, $0x1;
	s5 =	sadd.s32 s21, s3  }
0x9d: {  	[timem:s7], [sflag:s22] =	dma.local [hbm:s5], s20  }
0x9e: {  	_ =	swait.ge [sflag:s22], s20  }
0x9f: {  	s4 =	ssub.s32 $0x0, s20;
	[sflag:s22] =	ssyncset.done $0x0  }
0xa0: {  	[sflag:s22] =	ssyncadd.s32 s4;
	_ =	sdelay $0x1  }
0xa1: {  	s23 =	simm.s32 $0x1B8B  }
0xa2: {  	_ =	swait.ge [sflag:s23], $0x1  }
0xa3: {  	[sflag:s23] =	ssyncset.done $0x0  }
0xa4: {  	s25 =	simm.s32 $0x1B8E;
	s24 =	sld [smem:$0x3FFE];
	[sflag:s23] =	ssyncadd.s32 $0xFFFFFFFF  }
0xa5: {  	s26 =	simm.s32 $execute0_lowered;
	[smem:$0x3FD2] =	sst s25  }
0xa6: {  	s5 =	sshll.u32 s26, $0x1;
	_ =	strace $0x80000049;
	[dreg:$0x1] =	wrdreg $0xFFFFFFFF  }
0xa7: {  	s28 =	simm.s32 $_size_execute0_lowered;
	s3 =	sadd.s32 s3, s5;
	[dreg:$0x0] =	wrdreg $0x0  }
0xa8: {  	s5 =	sshll.u32 s28, $0x1;
	[dreg:$0x2] =	wrdreg s3  }
0xa9: {  	[dreg:$0x3] =	wrdreg s5  }
0xaa: {  	[dreg:$0x4] =	wrdreg $0xC0  }
0xab: {  	_ =	task [dreg:s7], $0x5FFFF  }
0xac: {  	[dreg:$0x1] =	wrdreg $0xFFFFFFFF  }
0xad: {  	[dreg:$0x0] =	wrdreg $0x60  }
0xae: {  	[dreg:$0x2] =	wrdreg s24  }
0xaf: {  	[dreg:$0x3] =	wrdreg s2  }
0xb0: {  	[dreg:$0x4] =	wrdreg $0x2FE00  }
0xb1: {  	[dreg:$0x5] =	wrdreg $0x9  }
0xb2: {  	_ =	task.clear_ibuf [dreg:s7], $0x6FFFF;
	_ =	strace $0x90000049  }
0xb3: {  	s29 =	simm.s32 $0x9;
	_ =	strace $0x8000004B  }
0xb4: {  	_ =	swait.ge [sflag:s29], $0x1  }
0xb5: {  	[sflag:s29] =	ssyncadd.s32 $0xFFFFFFFF  }
0xb6: {  	_ =	strace $0x9000004B  }
0xb7: {  	_ =	sfence  }
0xb8: {  	s30 =	sld [smem:$0x0];
	_ =	sdelay $0x2  }
0xb9: {  	s31 =	sshll.u32 s1, $0xD;
	s1 =	sshrl.u32 s1, $0x2  }
0xba: {  	s3 =	sand.u32 $0x4000, s31;
	s1 =	sadd.s32 s1, s30  }
0xbb: {  	s0 =	sor.u32 s3, s0;
	s1 =	sshll.u32 s1, $0x11  }
0xbc: {  	s0 =	sor.u32 s1, s0  }
0xbd: {  	s0 =	sadd.s32 $0x8F2B, s0  }
0xbe: {  	[sflag:s0] =	ssyncadd.remote.s32 $0x1  }
0xbf: {  	_ =	sfence.sel $0xFFFF  }
0xc0: {  	[dreg:$0x0] =	wrdreg $0xFFFFFFFF;
	(pc) =	sbr.abs _section_cstart, $3  }
0xc1: {  	[dreg:$0x1] =	wrdreg $0xFFFFFFFF  }
0xc2: {  	_ =	task.clear_ibuf [dreg:s7], $0x2FFFF;
	_ =	strace $0x9FFFFFFF  }
0xc3: {  	(tm) =	ssettm $0x7FFFFFFF  }
tec
execute0_lowered:
.L_overlay_start_1:
0x0: {  	(tag) =	ssettag $0x1  }
0x1: {  	v0 =	vimm.s32 $0xEDCBA987  }
0x2: {  	v1 =	vimm.s32 $0x65432100;
	v0 =	vunpack.c.l.s4.s8 v0  }
0x3: {  	v1 =	vunpack.c.l.s4.s8 v1  }
0x4: {  	v0 =	vunpack.c.0.s8.s32 v0  }
0x5: {  	v2 =	vimm.s32 $0xDCBA9876;
	v1 =	vunpack.c.0.s8.s32 v1  }
0x6: {  	v2 =	vunpack.c.l.s4.s8 v2;
	v0 =	vand.u32 $0xF, v0  }
0x7: {  	s5 =	rddreg [dreg:$0x0];
	v5 =	vimm.s32 $0xBA987654;
	v0 =	vcombine.low v1, v0  }
0x8: {  	s9 =	rddreg [dreg:$0x1];
	v1 =	vunpack.c.0.s8.s32 v2;
	v2 =	vunpack.c.l.s4.s8 v5;
	v5 =	vimm.s32 $0x32100000  }
0x9: {  	v3 =	vimm.s32 $0x54321000;
	v4 =	vimm.s32 $0xE40000;
	s8 =	rddreg [dreg:$0x2];
	v5 =	vunpack.c.l.s4.s8 v5  }
0xa: {  	s0 =	rddreg [dreg:$0x3];
	s1 =	simm.s32 $0x0;
	v6 =	vimm.s32 $0xFFEDCBA9;
	v7 =	vimm.s32 $0x87654321;
	v2 =	vunpack.c.0.s8.s32 v2  }
0xb: {  	s3 =	srdreg.scid;
	s2 =	stileid.u32;
	s14 =	simm.s32 $0x0;
	v6 =	vunpack.c.l.s4.s8 v6;
	v7 =	vunpack.c.l.s4.s8 v7;
	v5 =	vunpack.c.0.s8.s32 v5  }
0xc: {  	v3 =	vunpack.c.l.s4.s8 v3;
	v4 =	vunpack.c.l.s2.s4 v4;
	[smem:$0x7FF] =	sst s1;
	s6 =	sand.u32 $0x1, s3;
	s7 =	smul.u32 $0xA000, s2;
	v2 =	vand.u32 $0xF, v2  }
0xd: {  	s3 =	sadd.s32 $0x15800, s5;
	s4 =	smul.u32 $0x280, s2;
	s12 =	sshll.u32 s2, $0x1;
	v2 =	vcombine.low v5, v2;
	v5 =	vunpack.c.0.s8.s32 v6;
	v6 =	vunpack.c.0.s8.s32 v7  }
0xe: {  	vm0 =	vcmask $0x3F30;
	s5 =	sadd.s32 $0x1C00, s5;
	_ =	strace $0x8000004A;
	s10 =	ssub.s32 $0x2, s6;
	v3 =	vunpack.c.0.s8.s32 v3;
	v4 =	vunpack.c.l.s4.s8 v4  }
0xf: {  	s13 =	smul.u32 $0x2800, s6;
	s6 =	sor.u32 s6, s12;
	s12 =	simm.s32 $0x1;
	v1 =	vand.u32 $0xF, v1;
	v5 =	vcombine.low v6, v5;
	v6 =	vmov s4  }
0x10: {  	s11 =	sshrl.u32 s10, $0x1;
	s6 =	smul.u32 $0x13B0, s6;
	s7 =	sshrl.u32 s7, $0x2;
	v4 =	vunpack.c.0.s8.s32 v4;
	v1 =	vcombine.low v3, v1;
	v3 =	vimm.s32 $0x7060504  }
0x11: {  	vm1 =	vcmask $0x3F08;
	vm2 =	vcmask $0x3F10;
	s10 =	ssub.s32 s10, s11;
	s31 =	sadd.s32 s4, s13;
	s7 =	sadd.s32 s7, s8;
	v3 =	vunpack.c.0.s8.s32 v3  }
0x12: {  	vm3 =	vcmask $0x3F20;
	vm4 =	vcmask $0x3F3C;
	s8 =	sadd.s32 s4, s8;
	s13 =	simm.s32 $0x2BF0;
	s11 =	sshrl.u32 s31, $0x3;
	v4 =	vand.u32 $0x3, v4  }
0x13: {  	s10 =	smax.u32 s10, $0x1;
	s9 =	sadd.s32 s9, s11;
	s11 =	simm.s32 $0x2800;
	v3 =	vsel vm0, v3, v4;
	v4 =	vimm.f32 $-1.000000020e+30;
	vm0 =	vcmask $0x3F04  }
.LBB2_1:
0x14: {  	s15 =	simm.s32 $0x40;
	s16 =	simm.s32 $0x0  }
.LBB2_2:
0x15: {  	p0 =	sne.s32 s15, $0x9FC0;
	[tilespmem:s16+$0x0] =	vst v4;
	s16 =	smov.u32 s15;
	s15 =	sadd.s32 $0x40, s15  }
.Ltmp0:
0x16: {  	(pc) =	sbr.rel @p0 .LBB2_2-.Ltmp0, $2  }
0x17: {  	_ =	sdelay $0x2  }
0x18: {  	s16 =	sshra.s32 s16, $0x2  }
0x19: {  	[tilespmem:s16+$0x0] =	vst v4;
	s15 =	simm.s32 $0x0;
	s16 =	simm.s32 $0x0  }
.LBB2_4:
0x1a: {  	s17 =	smul.u32 $0x3F0, s16;
	_ =	sdelay $0x1  }
0x1b: {  	s17 =	sadd.s32 s6, s17  }
0x1c: {  	s17 =	sshrl.u32 s17, $0x3  }
0x1d: {  	s18 =	sadd.s32 s3, s17  }
0x1e: {  	[tilespmem:s11], [sflag:$0x1] =	stream.linear.gather [hbm4b:s18+s15], $0x3F0, $0x38;
	[tilespmem:$0x57E0] =	vst v63  }
0x1f: {  	_ =	swait.ge [sflag:s12], $0x3F0  }
0x20: {  	[sflag:s12] =	ssyncset.done $0x0  }
0x21: {  	s17 =	sadd.s32 s5, s17;
	[sflag:s12] =	ssyncadd.s32 $0xFFFFFC10  }
0x22: {  	[tilespmem:s13], [sflag:$0x1] =	stream.linear.gather [hbm4b:s17+s15], $0x3F0, $0x38;
	[tilespmem:$0x57E0] =	vst v63  }
0x23: {  	_ =	swait.ge [sflag:s12], $0x3F0  }
0x24: {  	[sflag:s12] =	ssyncset.done $0x0  }
0x25: {  	s18 =	simm.s32 $0x0;
	s17 =	simm.s32 $0x40;
	[sflag:s12] =	ssyncadd.s32 $0xFFFFFC10  }
.LBB2_5:
0x26: {  	p0 =	sne.s32 s17, $0xF80;
	v7 =	vld [tilespmem:s18+$0x2800]  }
0x27: {  	v8 =	vld [tilespmem:s18+$0x2BF0];
	_ =	sdelay $0x3  }
0x28: {  	v7 =	vxor.u32 $0x80000000, v7  }
0x29: {  	(xrf1) =	vsort.ascd.msk.u32 $0xffff, v7, v8;
	_ =	sdelay $0xd  }
0x2a: {  	v7, v8, _ =	vpop (xrf1)  }
0x2b: {  	v7 =	vxor.u32 $0x80000000, v7  }
0x2c: {  	v9 =	vperm.xlane v7, v0  }
0x2d: {  	v10 =	vperm.xlane v8, v0  }
0x2e: {  	vm5 =	veq.s32 v9, v7  }
0x2f: {  	v9 =	vmax.f32 v8, v10;
	vm5 =	vmand vm5, vm0  }
0x30: {  	v8 =	vsel vm5, v9, v8;
	v9 =	vperm.xlane v7, v1  }
0x31: {  	v10 =	vperm.xlane v8, v1  }
0x32: {  	vm5 =	veq.s32 v9, v7  }
0x33: {  	vm5 =	vmand vm5, vm1;
	v9 =	vmax.f32 v8, v10  }
0x34: {  	v8 =	vsel vm5, v9, v8;
	v9 =	vperm.xlane v7, v2  }
0x35: {  	v11 =	vperm.xlane v7, v5;
	v10 =	vperm.xlane v8, v2  }
0x36: {  	vm5 =	veq.s32 v9, v7  }
0x37: {  	vm6 =	vne.s32 v11, v7;
	vm5 =	vmand vm5, vm2;
	v9 =	vmax.f32 v8, v10;
	v10 =	vld.idx.msk [tilespmem:v7+s1+$0x0], $0xffff  }
0x38: {  	v8 =	vsel vm5, v9, v8;
	v9 =	vperm.xlane v7, v3;
	vm5 =	vmor vm6, vm4  }
0x39: {  	v11 =	vperm.xlane v8, v3  }
.Ltmp1:
0x3a: {  	vm6 =	veq.s32 v9, v7;
	(pc) =	sbr.rel @p0 .LBB2_5-.Ltmp1, $4  }
0x3b: {  	vm6 =	vmand vm6, vm3;
	v9 =	vmax.f32 v8, v11  }
0x3c: {  	v8 =	vsel vm6, v9, v8  }
0x3d: {  	v8 =	vmax.f32 v10, v8  }
0x3e: {  	s18 =	sshra.s32 s17, $0x2;
	s17 =	sadd.s32 $0x40, s17;
	[tilespmem:v7+s1+$0x0] =	vst.idx.msk vm5, v8  }
0x3f: {  	v7 =	vld [tilespmem:s18+$0x2800]  }
0x40: {  	v8 =	vld [tilespmem:s18+$0x2BF0];
	_ =	sdelay $0x3  }
0x41: {  	v7 =	vxor.u32 $0x80000000, v7  }
0x42: {  	(xrf1) =	vsort.ascd.msk.u32 $0xffff, v7, v8;
	_ =	sdelay $0xd  }
0x43: {  	v7, v8, _ =	vpop (xrf1)  }
0x44: {  	v7 =	vxor.u32 $0x80000000, v7  }
0x45: {  	v9 =	vperm.xlane v7, v0  }
0x46: {  	v10 =	vperm.xlane v8, v0  }
0x47: {  	vm5 =	veq.s32 v9, v7  }
0x48: {  	v53 =	vmax.f32 v8, v10;
	vm5 =	vmand vm5, vm0  }
0x49: {  	v54 =	vperm.xlane v7, v1;
	v8 =	vsel vm5, v53, v8  }
0x4a: {  	v55 =	vperm.xlane v8, v1  }
0x4b: {  	vm5 =	veq.s32 v54, v7  }
0x4c: {  	vm5 =	vmand vm5, vm1;
	v56 =	vmax.f32 v8, v55  }
0x4d: {  	v57 =	vperm.xlane v7, v2;
	v8 =	vsel vm5, v56, v8  }
0x4e: {  	v11 =	vperm.xlane v7, v5;
	v58 =	vperm.xlane v8, v2  }
0x4f: {  	vm5 =	veq.s32 v57, v7  }
0x50: {  	vm6 =	vne.s32 v11, v7;
	vm5 =	vmand vm5, vm2;
	v59 =	vmax.f32 v8, v58  }
0x51: {  	s16 =	sadd.s32 $0x1, s16;
	v61 =	vperm.xlane v7, v3;
	v60 =	vld.idx.msk [tilespmem:v7+s1+$0x0], $0xffff;
	v8 =	vsel vm5, v59, v8;
	vm5 =	vmor vm6, vm4  }
0x52: {  	p0 =	sne.s32 s16, $0x5;
	v62 =	vperm.xlane v8, v3  }
.Ltmp2:
0x53: {  	vm6 =	veq.s32 v61, v7;
	(pc) =	sbr.rel @p0 .LBB2_4-.Ltmp2, $4  }
0x54: {  	vm6 =	vmand vm6, vm3;
	v63 =	vmax.f32 v8, v62  }
0x55: {  	v8 =	vsel vm6, v63, v8  }
0x56: {  	v8 =	vmax.f32 v60, v8  }
0x57: {  	[tilespmem:v7+s1+$0x0] =	vst.idx.msk vm5, v8  }
0x58: {  	s15 =	simm.s32 $0x0  }
0x59: {  	[spmem:s7] =	stream.linear.scatter [tilespmem:s15], [sflag:$0x1], $0x2800, $0x38;
	[tilespmem:$0x57E0] =	vst v63  }
0x5a: {  	_ =	swait.ge [sflag:s12], $0x2800  }
0x5b: {  	[sflag:s12] =	ssyncset.done $0x0  }
0x5c: {  	[sflag:s12] =	ssyncadd.s32 $0xFFFFD800  }
0x5d: {  	[bflag:$0x0] =	sbarrier.arrive $0xFFFF  }
.LBB2_8:
0x5e: {  	s16 =	smul.u32 $0xA000, s15;
	_ =	sdelay $0x1  }
0x5f: {  	s16 =	sshra.s32 s16, $0x2  }
0x60: {  	s16 =	sadd.s32 s16, s8  }
0x61: {  	[tilespmem:s13], [sflag:$0x1] =	stream.linear.gather [spmem:s16], $0x280, $0x38;
	[tilespmem:$0x57E0] =	vst v63  }
0x62: {  	_ =	swait.ge [sflag:s12], $0x280  }
0x63: {  	[sflag:s12] =	ssyncset.done $0x0  }
0x64: {  	s17 =	simm.s32 $0x40;
	s16 =	simm.s32 $0x0;
	[sflag:s12] =	ssyncadd.s32 $0xFFFFFD80  }
.LBB2_9:
0x65: {  	p0 =	sne.s32 s17, $0x9C0;
	v7 =	vld.idx.msk [tilespmem:v6+s16+$0x0 ss:$0x1], $0xffff  }
0x66: {  	v8 =	vld [tilespmem:s16+$0x2BF0];
	_ =	sdelay $0x1  }
.Ltmp3:
0x67: {  	(pc) =	sbr.rel @p0 .LBB2_9-.Ltmp3, $3  }
0x68: {  	_ =	sdelay $0x1  }
0x69: {  	v7 =	vmax.f32 v7, v8  }
0x6a: {  	[tilespmem:v6+s16+$0x0 ss:$0x1] =	vst.idx.msk $0xffff, v7;
	s16 =	sshra.s32 s17, $0x2;
	s17 =	sadd.s32 $0x40, s17  }
0x6b: {  	_ =	sdelay $0x3  }
0x6c: {  	v7 =	vld.idx.msk [tilespmem:v6+s16+$0x0 ss:$0x1], $0xffff  }
0x6d: {  	v8 =	vld [tilespmem:s16+$0x2BF0];
	s15 =	sadd.s32 $0x1, s15  }
0x6e: {  	p0 =	sne.s32 s15, $0x10  }
.Ltmp4:
0x6f: {  	_ = 	snop;
	(pc) =	sbr.rel @p0 .LBB2_8-.Ltmp4, $3  }
0x70: {  	_ =	sdelay $0x1  }
0x71: {  	v7 =	vmax.f32 v7, v8  }
0x72: {  	[tilespmem:v6+s16+$0x0 ss:$0x1] =	vst.idx.msk $0xffff, v7  }
0x73: {  	s14 =	sadd.s32 $0x1, s14  }
0x74: {  	p0 =	sne.s32 s14, s10  }
.Ltmp5:
0x75: {  	_ = 	snop;
	(pc) =	sbr.rel @p0 .LBB2_1-.Ltmp5, $4  }
0x76: {  	[hbm4b:s9+s1] =	stream.linear.scatter [tilespmem:s4], [sflag:$0x1], $0x280, $0x38;
	[tilespmem:$0x57E0] =	vst v63  }
0x77: {  	_ =	swait.ge [sflag:s12], $0x280  }
0x78: {  	[sflag:s12] =	ssyncset.done $0x0  }
0x79: {  	[sflag:s12] =	ssyncadd.s32 $0xFFFFFD80  }
0x7a: {  	_ =	sfence.sel $0x180000  }
0x7b: {  	[bflag:$0x0] =	sbarrier.arrive $0xFFFF  }
0x7c: {  	p0 =	sne.s32 s2, $0x0;
	_ =	strace $0x9000004A  }
0x7d: {  	s0 =	sadd.s32 @!p0 $0x100000, s0;
	[bflag:$0x2] =	sbarrier.arrive $0xFFFF  }
0x7e: {  	[sflag:s0] =	ssyncadd.tile.s32 @!p0 $0x1;
	_ =	shalt  }
.Lfunc_end2:
_tile_overlayer_lowered:
.L_overlay_start_2:
0x7f: {  	(tag) =	ssettag $0x2  }
0x80: {  	s0 =	rddreg [dreg:$0x0];
	s2 =	stileid.u32  }
0x81: {  	s1 =	rddreg [dreg:$0x1];
	p0 =	sne.s32 s2, $0x0  }
0x82: {  	s3 =	rddreg [dreg:$0x2];
	[bflag:$0x3] =	sbarrier.arrive $0xFFFF;
	s2 =	simm.s32 @!p0 $0x1C01  }
0x83: {  	[timem:s3], [sflag:s2] =	dma.local @!p0 [hbm:s0], s1  }
0x84: {  	s0 =	simm.s32 @!p0 $0x1  }
0x85: {  	_ =	swait.ge @!p0 [sflag:s0], s1  }
0x86: {  	s1 =	ssub.s32 @!p0 $0x0, s1;
	[sflag:s0] =	ssyncset.done @!p0 $0x0  }
0x87: {  	[sflag:s0] =	ssyncadd.s32 @!p0 s1  }
0x88: {  	[bflag:$0x3] =	sbarrier.arrive $0xFFFF  }
0x89: {  	_ =	shalt  }

// kernel: kernel.13.cloned.1.call-start
scs
__scs_entry_jumppad:
0x0: {  	(pc) =	sbr.rel $0x88, $3  }
0x1: {  	(tag) =	ssettag $0x0;
	lr =	simm.s32 $0x1  }
0x2: {  	[smem:$0x3F98] =	sst lr;
	_ =	strace $0xD0000000  }
0x3: {  	_ = 	snop  }
0x4: {  	_ = 	snop  }
0x5: {  	_ = 	snop  }
0x6: {  	_ = 	snop  }
0x7: {  	_ = 	snop  }
__scs_overlays_trampoline_lowered:
0x8: {  	[smem:$0x3FA7] =	sst s0  }
0x9: {  	[smem:$0x3FA8] =	sst s1  }
0xa: {  	[smem:$0x3FA9] =	sst s2  }
0xb: {  	[smem:$0x3FAA] =	sst s3  }
0xc: {  	[smem:$0x3FAB] =	sst s4  }
0xd: {  	[smem:$0x3FAC] =	sst s5  }
0xe: {  	[smem:$0x3FAD] =	sst s6  }
0xf: {  	[smem:$0x3FAE] =	sst s7  }
0x10: {  	[smem:$0x3FAF] =	sst s8  }
0x11: {  	[smem:$0x3FB0] =	sst s9;
	s0 =	simm.s32 @!p0 $0x0  }
0x12: {  	s1 =	sld [smem:$0x3F96];
	s0 =	simm.s32 @p0 $0x1  }
0x13: {  	[smem:$0x3FB1] =	sst s0;
	s0 =	simm.s32 @!p1 $0x0  }
0x14: {  	s2 =	sld [smem:$0x3F95];
	s0 =	simm.s32 @p1 $0x1  }
0x15: {  	[smem:$0x3FB2] =	sst s0;
	s0 =	simm.s32 @!p2 $0x0  }
0x16: {  	s3 =	sld [smem:$0x3FDB];
	s0 =	simm.s32 @p2 $0x1  }
0x17: {  	s4 =	simm.s32 $0x1BF5;
	[smem:$0x3FB4] =	sst s0  }
0x18: {  	s0 =	sld [smem:$0x3F97];
	_ =	swait.ge [sflag:s4], $0x0  }
0x19: {  	s7 =	sld [smem:$0x3F98]  }
0x1a: {  	s8 =	sadd.s32 $0xFFFFE003, lr  }
0x1b: {  	s9 =	sadd.s32 $0xFFFFFEF7, lr;
	s5 =	simm.s32 $0xFFFFFFFF;
	p2 =	slt.u32 s8, $0xFFFFF086  }
0x1c: {  	p1 =	slt.u32 s9, $0xF7A;
	s5 =	simm.s32 @!p2 $0x0  }
0x1d: {  	s5 =	simm.s32 @p1 $0x1;
	p0 =	seq.s32 s7, s2  }
0x1e: {  	s7 =	smul.u32 @!p0 $0xF7A, s2;
	p2 =	seq.s32 @!p0 s5, $0x0  }
0x1f: {  	s9 =	smul.u32 $0xF7A, s1;
	s8 =	simm.s32 @!p0 $0x1BF5;
	p2 =	por !p2, p0  }
0x20: {  	[sflag:s8] =	ssyncset.s32 @!p0 $0xFFFFF086;
	s6 =	sadd.s32 @!p0 s3, s7;
	s7 =	simm.s32 @!p0 $0x108  }
0x21: {  	s3 =	sadd.s32 s3, s9;
	s6 =	sadd.s32 @!p0 $0x88, s6;
	s7 =	simm.s32 @p2 $0x1082  }
0x22: {  	[simem:s7], [sflag:s8] =	dma.local @!p0 [hbm:s6], $0xF7A  }
0x23: {  	s9 =	sor.u32 $0xD0000000, s2;
	s6 =	simm.s32 $0x108;
	_ =	swait.ge @!p0 [sflag:s8], $0x0  }
0x24: {  	s3 =	sadd.s32 $0x88, s3;
	s6 =	simm.s32 @!p1 $0x1082;
	[sflag:s4] =	ssyncset.s32 $0xFFFFF086  }
0x25: {  	[simem:s6], [sflag:s4] =	dma.local [hbm:s3], $0xF7A  }
0x26: {  	[smem:$0x3F98] =	sst s1;
	(tag) =	ssettag s2;
	_ =	strace s9  }
0x27: {  	s1 =	sld [smem:$0x3FA8]  }
0x28: {  	s2 =	sld [smem:$0x3FA9]  }
0x29: {  	s4 =	sld [smem:$0x3FAB]  }
0x2a: {  	p0 =	seq.s32 s5, $0x0;
	s5 =	sld [smem:$0x3FAC]  }
0x2b: {  	s6 =	sld [smem:$0x3FAD]  }
0x2c: {  	s7 =	sld [smem:$0x3FAE]  }
0x2d: {  	s3 =	simm.s32 $0x108;
	s8 =	sld [smem:$0x3FAF]  }
0x2e: {  	s3 =	simm.s32 @!p0 $0x1082;
	s9 =	sld [smem:$0x3FB0]  }
0x2f: {  	lr =	sadd.s32 s0, s3;
	s0 =	sld [smem:$0x3FA7]  }
0x30: {  	s3 =	sld [smem:$0x3FAA]  }
0x31: {  	[smem:$0x3FB3] =	sst s10  }
0x32: {  	s10 =	sld [smem:$0x3FB1];
	_ =	sdelay $0x3  }
0x33: {  	p0 =	seq.s32 s10, $0x1;
	s10 =	sld [smem:$0x3FB3];
	_ =	sdelay $0x3  }
0x34: {  	[smem:$0x3FB3] =	sst s10  }
0x35: {  	s10 =	sld [smem:$0x3FB2];
	_ =	sdelay $0x3  }
0x36: {  	p1 =	seq.s32 s10, $0x1;
	s10 =	sld [smem:$0x3FB3];
	_ =	sdelay $0x3  }
0x37: {  	[smem:$0x3FB3] =	sst s10  }
0x38: {  	s10 =	sld [smem:$0x3FB4]  }
0x39: {  	_ = 	snop;
	(pc) =	sbr.ind lr, $3  }
0x3a: {  	_ = 	snop  }
0x3b: {  	_ = 	snop  }
0x3c: {  	p2 =	seq.s32 s10, $0x1;
	s10 =	sld [smem:$0x3FB3]  }
0x3d: {  	_ =	shalt  }
0x3e: {  	_ =	shalt  }
0x3f: {  	_ =	shalt  }
0x40: {  	_ =	shalt  }
0x41: {  	_ =	shalt  }
0x42: {  	_ =	shalt  }
0x43: {  	_ =	shalt  }
0x44: {  	_ =	shalt  }
0x45: {  	_ =	shalt  }
0x46: {  	_ =	shalt  }
0x47: {  	_ =	shalt  }
0x48: {  	_ =	shalt  }
0x49: {  	_ =	shalt  }
0x4a: {  	_ =	shalt  }
0x4b: {  	_ =	shalt  }
0x4c: {  	_ =	shalt  }
0x4d: {  	_ =	shalt  }
0x4e: {  	_ =	shalt  }
0x4f: {  	_ =	shalt  }
0x50: {  	_ =	shalt  }
0x51: {  	_ =	shalt  }
0x52: {  	_ =	shalt  }
0x53: {  	_ =	shalt  }
0x54: {  	_ =	shalt  }
0x55: {  	_ =	shalt  }
0x56: {  	_ =	shalt  }
0x57: {  	_ =	shalt  }
0x58: {  	_ =	shalt  }
0x59: {  	_ =	shalt  }
0x5a: {  	_ =	shalt  }
0x5b: {  	_ =	shalt  }
0x5c: {  	_ =	shalt  }
0x5d: {  	_ =	shalt  }
0x5e: {  	_ =	shalt  }
0x5f: {  	_ =	shalt  }
0x60: {  	_ =	shalt  }
0x61: {  	_ =	shalt  }
0x62: {  	_ =	shalt  }
0x63: {  	_ =	shalt  }
0x64: {  	_ =	shalt  }
0x65: {  	_ =	shalt  }
0x66: {  	_ =	shalt  }
0x67: {  	_ =	shalt  }
0x68: {  	_ =	shalt  }
0x69: {  	_ =	shalt  }
0x6a: {  	_ =	shalt  }
0x6b: {  	_ =	shalt  }
0x6c: {  	_ =	shalt  }
0x6d: {  	_ =	shalt  }
0x6e: {  	_ =	shalt  }
0x6f: {  	_ =	shalt  }
0x70: {  	_ =	shalt  }
0x71: {  	_ =	shalt  }
0x72: {  	_ =	shalt  }
0x73: {  	_ =	shalt  }
0x74: {  	_ =	shalt  }
0x75: {  	_ =	shalt  }
0x76: {  	_ =	shalt  }
0x77: {  	_ =	shalt  }
0x78: {  	_ =	shalt  }
0x79: {  	_ =	shalt  }
0x7a: {  	_ =	shalt  }
0x7b: {  	_ =	shalt  }
0x7c: {  	_ =	shalt  }
0x7d: {  	_ =	shalt  }
0x7e: {  	_ =	shalt  }
0x7f: {  	_ =	shalt  }
0x80: {  	_ =	shalt  }
0x81: {  	_ =	shalt  }
0x82: {  	_ =	shalt  }
0x83: {  	_ =	shalt  }
0x84: {  	_ =	shalt  }
0x85: {  	_ =	shalt  }
0x86: {  	_ =	shalt  }
0x87: {  	_ =	shalt  }
.Lfunc_end0:
.L_simem_size_0:
called_computation.2_lowered:
.L_overlay_start_0:
0x88: {  	s2 =	sld [smem:$0x3FD9]  }
0x89: {  	s3 =	sld [smem:$0x3FFE];
	_ =	sdelay $0x1  }
0x8a: {  	s1 =	srdreg.scid  }
0x8b: {  	s0 =	sand.u32 $0x1, s1  }
0x8c: {  	s17 =	sshll.u32 s0, $0xA;
	s2 =	sadd.s32 s3, s2  }
0x8d: {  	s2 =	sadd.s32 s2, s17  }
0x8e: {  	[smem:$0x3FBF] =	sst s2  }
0x8f: {  	_ = 	snop  }
0x90: {  	s2 =	sld [smem:$0x3FD0];
	(tm) =	ssettm $0x1  }
0x91: {  	s18 =	sld [smem:$0x3FFB];
	_ =	sdelay $0x3  }
0x92: {  	_ =	strace s18  }
0x93: {  	s3 =	sld [smem:$0x3FFC];
	_ =	sdelay $0x3  }
0x94: {  	_ =	strace s3  }
0x95: {  	s3 =	sld [smem:$0x3FFD];
	_ =	sdelay $0x3  }
0x96: {  	_ =	strace s3  }
0x97: {  	_ =	strace $0x8FFFFFFF  }
0x98: {  	s19 =	sld [smem:$0x3FDB];
	_ =	sdelay $0x1  }
0x99: {  	s4 =	simm.s32 $_scs_section_size  }
0x9a: {  	s5 =	simm.s32 $_size__tile_overlayer_lowered;
	s6 =	simm.s32 $_tile_overlayer_lowered  }
0x9b: {  	s22 =	simm.s32 $0x1BFF;
	s21 =	sshll.u32 s6, $0x1;
	s3 =	sadd.s32 s4, s19  }
0x9c: {  	s7 =	simm.s32 $0x0;
	s20 =	sshll.u32 s5, $0x1;
	s5 =	sadd.s32 s21, s3  }
0x9d: {  	[timem:s7], [sflag:s22] =	dma.local [hbm:s5], s20  }
0x9e: {  	_ =	swait.ge [sflag:s22], s20  }
0x9f: {  	s4 =	ssub.s32 $0x0, s20;
	[sflag:s22] =	ssyncset.done $0x0  }
0xa0: {  	[sflag:s22] =	ssyncadd.s32 s4;
	_ =	sdelay $0x1  }
0xa1: {  	s23 =	simm.s32 $0x1B8B  }
0xa2: {  	_ =	swait.ge [sflag:s23], $0x1  }
0xa3: {  	[sflag:s23] =	ssyncset.done $0x0  }
0xa4: {  	s25 =	simm.s32 $0x1B8E;
	s24 =	sld [smem:$0x3FFE];
	[sflag:s23] =	ssyncadd.s32 $0xFFFFFFFF  }
0xa5: {  	s26 =	simm.s32 $execute0_lowered;
	[smem:$0x3FD2] =	sst s25  }
0xa6: {  	s5 =	sshll.u32 s26, $0x1;
	_ =	strace $0x8000004C;
	[dreg:$0x1] =	wrdreg $0xFFFFFFFF  }
0xa7: {  	s28 =	simm.s32 $_size_execute0_lowered;
	s3 =	sadd.s32 s3, s5;
	[dreg:$0x0] =	wrdreg $0x0  }
0xa8: {  	s5 =	sshll.u32 s28, $0x1;
	[dreg:$0x2] =	wrdreg s3  }
0xa9: {  	[dreg:$0x3] =	wrdreg s5  }
0xaa: {  	[dreg:$0x4] =	wrdreg $0xC0  }
0xab: {  	_ =	task [dreg:s7], $0x5FFFF  }
0xac: {  	[dreg:$0x1] =	wrdreg $0xFFFFFFFF  }
0xad: {  	[dreg:$0x0] =	wrdreg $0x60  }
0xae: {  	[dreg:$0x2] =	wrdreg s24  }
0xaf: {  	[dreg:$0x3] =	wrdreg s2  }
0xb0: {  	[dreg:$0x4] =	wrdreg $0x80200  }
0xb1: {  	[dreg:$0x5] =	wrdreg $0x9  }
0xb2: {  	_ =	task.clear_ibuf [dreg:s7], $0x6FFFF;
	_ =	strace $0x9000004C  }
0xb3: {  	s29 =	simm.s32 $0x9;
	_ =	strace $0x8000004E  }
0xb4: {  	_ =	swait.ge [sflag:s29], $0x1  }
0xb5: {  	[sflag:s29] =	ssyncadd.s32 $0xFFFFFFFF  }
0xb6: {  	_ =	strace $0x9000004E  }
0xb7: {  	_ =	sfence  }
0xb8: {  	s30 =	sld [smem:$0x0];
	_ =	sdelay $0x2  }
0xb9: {  	s31 =	sshll.u32 s1, $0xD;
	s1 =	sshrl.u32 s1, $0x2  }
0xba: {  	s3 =	sand.u32 $0x4000, s31;
	s1 =	sadd.s32 s1, s30  }
0xbb: {  	s0 =	sor.u32 s3, s0;
	s1 =	sshll.u32 s1, $0x11  }
0xbc: {  	s0 =	sor.u32 s1, s0  }
0xbd: {  	s0 =	sadd.s32 $0x8F2B, s0  }
0xbe: {  	[sflag:s0] =	ssyncadd.remote.s32 $0x1  }
0xbf: {  	_ =	sfence.sel $0xFFFF  }
0xc0: {  	[dreg:$0x0] =	wrdreg $0xFFFFFFFF;
	(pc) =	sbr.abs _section_cstart, $3  }
0xc1: {  	[dreg:$0x1] =	wrdreg $0xFFFFFFFF  }
0xc2: {  	_ =	task.clear_ibuf [dreg:s7], $0x2FFFF;
	_ =	strace $0x9FFFFFFF  }
0xc3: {  	(tm) =	ssettm $0x7FFFFFFF  }
tec
execute0_lowered:
.L_overlay_start_1:
0x0: {  	(tag) =	ssettag $0x1  }
0x1: {  	s0 =	rddreg [dreg:$0x0]  }
0x2: {  	s13 =	rddreg [dreg:$0x1]  }
0x3: {  	s3 =	rddreg [dreg:$0x2]  }
0x4: {  	s1 =	srdreg.scid;
	s12 =	stileid.u32  }
0x5: {  	s4 =	simm.s32 $0x0;
	s14 =	simm.s32 $0x1;
	s16 =	simm.s32 $0x5320  }
0x6: {  	s19 =	simm.s32 $0x50A0;
	s20 =	simm.s32 $0x50F0;
	s21 =	simm.s32 $0x5140  }
0x7: {  	s22 =	simm.s32 $0x5190;
	s23 =	simm.s32 $0x5230;
	s28 =	simm.s32 $0x5000  }
0x8: {  	s29 =	simm.s32 $0x5820;
	s30 =	simm.s32 $0x0;
	s31 =	simm.s32 $0x0  }
0x9: {  	s1 =	sand.u32 $0x1, s1;
	s2 =	smul.u32 $0x2800, s12;
	[smem:$0x7FF] =	sst s4  }
0xa: {  	s5 =	sadd.s32 $0x15800, s0;
	s6 =	sadd.s32 $0x1C00, s0;
	s7 =	sadd.s32 $0x1A800, s0  }
0xb: {  	s11 =	sshll.u32 s12, $0x1;
	s25 =	sadd.s32 $0x500, s13;
	s26 =	sshll.u32 s12, $0x6  }
0xc: {  	s8 =	smul.u32 $0x28000, s1;
	_ =	strace $0x8000004D;
	s10 =	ssub.s32 $0x2, s1  }
0xd: {  	s1 =	sor.u32 s1, s11;
	[dreg:$0x4] =	wrdreg s25;
	s17 =	sor.u32 $0x1C01, s26  }
0xe: {  	s25 =	simm.s32 $0x52D0;
	s26 =	simm.s32 $0x50;
	s9 =	sadd.s32 s2, s8  }
0xf: {  	s24 =	sshrl.u32 s10, $0x1;
	s11 =	smul.u32 $0x13B0, s1;
	s9 =	sshrl.u32 s9, $0x3  }
0x10: {  	s8 =	sadd.s32 $0x6C00, s0;
	s0 =	sadd.s32 s9, s0;
	s9 =	ssub.s32 s10, s24  }
0x11: {  	v0 =	vlaneseq.u32;
	s10 =	sadd.s32 s2, s3;
	s24 =	simm.s32 $0x5280;
	s0 =	sadd.s32 $0x7200, s0  }
0x12: {  	v0 =	vmul.u32 $0x10, v0;
	s13 =	smax.u32 s9, $0x1;
	s18 =	sshrl.u32 s10, $0x3;
	[dreg:$0x5] =	wrdreg s0  }
.LBB2_1:
0x13: {  	s0 =	rddreg [dreg:$0x1]  }
0x14: {  	[tilespmem:s4], [sflag:$0x1] =	stream.linear.gather [hbm4b:s0+s4], $0x2800, $0x38;
	[tilespmem:$0xA820] =	vst v63  }
0x15: {  	_ =	swait.ge [sflag:s14], $0x2800  }
0x16: {  	[sflag:s14] =	ssyncset.done $0x0  }
0x17: {  	s1 =	simm.s32 $0x2800;
	s15 =	rddreg [dreg:$0x4];
	[sflag:s14] =	ssyncadd.s32 $0xFFFFD800  }
0x18: {  	[tilespmem:s1], [sflag:$0x1] =	stream.linear.gather [hbm4b:s15+s4], $0x2800, $0x38;
	[tilespmem:$0xA820] =	vst v63  }
0x19: {  	_ =	swait.ge [sflag:s14], $0x2800  }
0x1a: {  	[sflag:s14] =	ssyncset.done $0x0  }
0x1b: {  	s0 =	simm.s32 $0x0;
	[sflag:s14] =	ssyncadd.s32 $0xFFFFD800  }
0x1c: {  	s1 =	simm.s32 $0x40;
	v1 =	vld [tilespmem:s0+$0x2800]  }
.LBB2_2:
0x1d: {  	p0 =	sne.s32 s1, $0x9FC0;
	v2 =	vld [tilespmem:s0+$0x0];
	_ =	sdelay $0x1  }
.Ltmp0:
0x1e: {  	(pc) =	sbr.rel @p0 .LBB2_2-.Ltmp0, $3  }
0x1f: {  	_ =	sdelay $0x1  }
0x20: {  	s2 =	sshra.s32 s1, $0x2;
	v2 =	vmax.f32 v2, v1  }
0x21: {  	s1 =	sadd.s32 $0x40, s1;
	v1 =	vld [tilespmem:s2+$0x2800];
	[tilespmem:s0+$0x0] =	vst v2;
	s0 =	smov.u32 s2  }
0x22: {  	v2 =	vld [tilespmem:s0+$0x0];
	_ =	sdelay $0x4  }
0x23: {  	v1 =	vmax.f32 v2, v1  }
0x24: {  	[tilespmem:s0+$0x0] =	vst v1  }
0x25: {  	[tilespmem:s16], [sflag:$0x1] =	stream.linear.gather [hbm4b:s8+s31], $0x500, $0x38;
	[tilespmem:$0xA820] =	vst v63  }
0x26: {  	_ =	swait.ge [sflag:s14], $0x500  }
0x27: {  	[sflag:s14] =	ssyncset.done $0x0  }
0x28: {  	[sflag:s14] =	ssyncadd.s32 $0xFFFFFB00  }
0x29: {  	[spmem:s18], [sflag:s17] =	dma.local [hbm:s8], $0x500  }
0x2a: {  	_ =	swait.ge [sflag:s14], $0x500  }
0x2b: {  	[sflag:s14] =	ssyncset.done $0x0  }
0x2c: {  	[sflag:s14] =	ssyncadd.s32 $0xFFFFFB00  }
0x2d: {  	s0 =	simm.s32 $0x0;
	[bflag:$0x0] =	sbarrier.arrive $0xFFFF  }
.LBB2_4:
0x2e: {  	s1 =	smul.u32 $0x50, s0;
	_ =	sdelay $0x1  }
0x2f: {  	s1 =	sadd.s32 s11, s1  }
0x30: {  	s9 =	sshrl.u32 s1, $0x3  }
0x31: {  	s1 =	simm.s32 $0x5000;
	s2 =	sadd.s32 s5, s9  }
0x32: {  	[tilespmem:s1], [sflag:$0x1] =	stream.linear.gather [hbm4b:s2+s31], $0x50, $0x38;
	[tilespmem:$0xA820] =	vst v63  }
0x33: {  	_ =	swait.ge [sflag:s14], $0x50  }
0x34: {  	[sflag:s14] =	ssyncset.done $0x0  }
0x35: {  	s15 =	sadd.s32 s6, s9;
	s2 =	simm.s32 $0x5050;
	[sflag:s14] =	ssyncadd.s32 $0xFFFFFFB0  }
0x36: {  	[tilespmem:s2], [sflag:$0x1] =	stream.linear.gather [hbm4b:s15+s31], $0x50, $0x38;
	[tilespmem:$0xA820] =	vst v63  }
0x37: {  	_ =	swait.ge [sflag:s14], $0x50  }
0x38: {  	[sflag:s14] =	ssyncset.done $0x0  }
0x39: {  	s9 =	sadd.s32 s7, s9;
	[sflag:s14] =	ssyncadd.s32 $0xFFFFFFB0  }
0x3a: {  	[tilespmem:s19], [sflag:$0x1] =	stream.linear.gather [hbm4b:s9+s31], $0x50, $0x38;
	[tilespmem:$0xA820] =	vst v63  }
0x3b: {  	_ =	swait.ge [sflag:s14], $0x50  }
0x3c: {  	[sflag:s14] =	ssyncset.done $0x0  }
0x3d: {  	s12 =	sadd.s32 $0x4EC0, s9;
	[sflag:s14] =	ssyncadd.s32 $0xFFFFFFB0  }
0x3e: {  	[tilespmem:s20], [sflag:$0x1] =	stream.linear.gather [hbm4b:s12+s31], $0x50, $0x38;
	[tilespmem:$0xA820] =	vst v63  }
0x3f: {  	_ =	swait.ge [sflag:s14], $0x50  }
0x40: {  	[sflag:s14] =	ssyncset.done $0x0  }
0x41: {  	s12 =	sadd.s32 $0x9D80, s9;
	[sflag:s14] =	ssyncadd.s32 $0xFFFFFFB0  }
0x42: {  	[tilespmem:s21], [sflag:$0x1] =	stream.linear.gather [hbm4b:s12+s31], $0x50, $0x38;
	[tilespmem:$0xA820] =	vst v63  }
0x43: {  	_ =	swait.ge [sflag:s14], $0x50  }
0x44: {  	[sflag:s14] =	ssyncset.done $0x0  }
0x45: {  	s12 =	sadd.s32 $0xEC40, s9;
	[sflag:s14] =	ssyncadd.s32 $0xFFFFFFB0  }
0x46: {  	[tilespmem:s22], [sflag:$0x1] =	stream.linear.gather [hbm4b:s12+s31], $0x50, $0x38;
	[tilespmem:$0xA820] =	vst v63  }
0x47: {  	_ =	swait.ge [sflag:s14], $0x50  }
0x48: {  	[sflag:s14] =	ssyncset.done $0x0  }
0x49: {  	s15 =	simm.s32 $0x51E0;
	s12 =	sadd.s32 $0x13B00, s9;
	[sflag:s14] =	ssyncadd.s32 $0xFFFFFFB0  }
0x4a: {  	[tilespmem:s15], [sflag:$0x1] =	stream.linear.gather [hbm4b:s12+s31], $0x50, $0x38;
	[tilespmem:$0xA820] =	vst v63  }
0x4b: {  	_ =	swait.ge [sflag:s14], $0x50  }
0x4c: {  	[sflag:s14] =	ssyncset.done $0x0  }
0x4d: {  	s12 =	sadd.s32 $0x189C0, s9;
	[sflag:s14] =	ssyncadd.s32 $0xFFFFFFB0  }
0x4e: {  	[tilespmem:s23], [sflag:$0x1] =	stream.linear.gather [hbm4b:s12+s31], $0x50, $0x38;
	[tilespmem:$0xA820] =	vst v63  }
0x4f: {  	_ =	swait.ge [sflag:s14], $0x50  }
0x50: {  	[sflag:s14] =	ssyncset.done $0x0  }
0x51: {  	s12 =	sadd.s32 $0x1D880, s9;
	[sflag:s14] =	ssyncadd.s32 $0xFFFFFFB0  }
0x52: {  	[tilespmem:s24], [sflag:$0x1] =	stream.linear.gather [hbm4b:s12+s31], $0x50, $0x38;
	[tilespmem:$0xA820] =	vst v63  }
0x53: {  	_ =	swait.ge [sflag:s14], $0x50  }
0x54: {  	[sflag:s14] =	ssyncset.done $0x0  }
0x55: {  	s9 =	sadd.s32 $0x22740, s9;
	[sflag:s14] =	ssyncadd.s32 $0xFFFFFFB0  }
0x56: {  	[tilespmem:s25], [sflag:$0x1] =	stream.linear.gather [hbm4b:s9+s31], $0x50, $0x38;
	[tilespmem:$0xA820] =	vst v63  }
0x57: {  	_ =	swait.ge [sflag:s14], $0x50  }
0x58: {  	[sflag:s14] =	ssyncset.done $0x0  }
0x59: {  	[sflag:s14] =	ssyncadd.s32 $0xFFFFFFB0  }
0x5a: {  	v1 =	vld [tilespmem:s1+$0x0];
	_ =	sdelay $0x6  }
0x5b: {  	v2 =	vld [tilespmem:s2+$0x0]  }
0x5c: {  	v1 =	vld.idx.msk [tilespmem:v1+s4+$0x0], $0xffff;
	_ =	sdelay $0x4  }
0x5d: {  	v1 =	vsub.f32 v2, v1;
	_ =	sdelay $0x1  }
0x5e: {  	v1 =	vmul.f32 $5.000000000e-01, v1;
	_ =	sdelay $0x1  }
0x5f: {  	v1 =	vmul.f32 $1.442695020e+00, v1;
	_ =	sdelay $0x1  }
0x60: {  	(erf) = vpow2.f32 v1;
	_ =	sdelay $0x4  }
0x61: {  	v2 =	vld [tilespmem:s15+$0xFFFFFEC0];
	v1 =	vmov s31  }
0x62: {  	v1 =	vshll.u32 v1, $0x4  }
0x63: {  	v1 =	vor.u32 v0, v1;
	_ =	sdelay $0x1  }
0x64: {  	v3 =	vpop (erf)  }
0x65: {  	v2 =	vmul.f32 v3, v2;
	_ =	sdelay $0x1  }
0x66: {  	[tilespmem:v1+s16+$0x0] =	vst.idx.msk $0xffff, v2  }
0x67: {  	v2 =	vld [tilespmem:s15+$0xFFFFFF10];
	_ =	sdelay $0x1  }
0x68: {  	v4 =	vor.u32 $0x1, v1;
	_ =	sdelay $0x2  }
0x69: {  	v2 =	vmul.f32 v3, v2;
	_ =	sdelay $0x1  }
0x6a: {  	[tilespmem:v4+s16+$0x0] =	vst.idx.msk $0xffff, v2  }
0x6b: {  	v2 =	vld [tilespmem:s15+$0xFFFFFF60];
	_ =	sdelay $0x1  }
0x6c: {  	v58 =	vor.u32 $0x2, v1;
	_ =	sdelay $0x2  }
0x6d: {  	v2 =	vmul.f32 v2, v3;
	_ =	sdelay $0x1  }
0x6e: {  	[tilespmem:v58+s16+$0x0] =	vst.idx.msk $0xffff, v2  }
0x6f: {  	v2 =	vld [tilespmem:s15+$0xFFFFFFB0];
	_ =	sdelay $0x1  }
0x70: {  	v59 =	vor.u32 $0x3, v1;
	_ =	sdelay $0x2  }
0x71: {  	v2 =	vmul.f32 v2, v3;
	_ =	sdelay $0x1  }
0x72: {  	[tilespmem:v59+s16+$0x0] =	vst.idx.msk $0xffff, v2  }
0x73: {  	v2 =	vld [tilespmem:s15+$0x0];
	_ =	sdelay $0x1  }
0x74: {  	v60 =	vor.u32 $0x4, v1;
	_ =	sdelay $0x2  }
0x75: {  	v2 =	vmul.f32 v2, v3;
	_ =	sdelay $0x1  }
0x76: {  	[tilespmem:v60+s16+$0x0] =	vst.idx.msk $0xffff, v2  }
0x77: {  	v2 =	vld [tilespmem:s15+$0x50];
	_ =	sdelay $0x1  }
0x78: {  	v61 =	vor.u32 $0x5, v1;
	_ =	sdelay $0x2  }
0x79: {  	v2 =	vmul.f32 v2, v3;
	_ =	sdelay $0x1  }
0x7a: {  	[tilespmem:v61+s16+$0x0] =	vst.idx.msk $0xffff, v2  }
0x7b: {  	v2 =	vld [tilespmem:s15+$0xA0];
	_ =	sdelay $0x1  }
0x7c: {  	v62 =	vor.u32 $0x6, v1;
	_ =	sdelay $0x2  }
0x7d: {  	v2 =	vmul.f32 v2, v3;
	_ =	sdelay $0x1  }
0x7e: {  	[tilespmem:v62+s16+$0x0] =	vst.idx.msk $0xffff, v2  }
0x7f: {  	v2 =	vld [tilespmem:s15+$0xF0];
	_ =	sdelay $0x1  }
0x80: {  	v63 =	vor.u32 $0x7, v1  }
0x81: {  	v1 =	vor.u32 $0x8, v1;
	_ =	sdelay $0x1  }
0x82: {  	v5 =	vmul.f32 v2, v3  }
0x83: {  	v2 =	vmul.f32 v3, v3  }
0x84: {  	s9 =	simm.s32 $0x10;
	[tilespmem:v63+s16+$0x0] =	vst.idx.msk $0xffff, v5  }
.LBB2_5:
0x85: {  	[tilespmem:v1+s16+$0x0] =	vst.idx.msk $0xffff, v2;
	s1 =	sadd.s32 $0x10, s1;
	s2 =	sadd.s32 $0x10, s2;
	s15 =	sadd.s32 $0x10, s15  }
0x86: {  	p0 =	sne.s32 s9, $0x40;
	s12 =	smov.u32 s9;
	s9 =	sadd.s32 $0x10, s9;
	v1 =	vld [tilespmem:s1+$0x0]  }
0x87: {  	_ =	sdelay $0x6  }
0x88: {  	v1 =	vld.idx.msk [tilespmem:v1+s4+$0x0], $0xffff  }
0x89: {  	v2 =	vld [tilespmem:s2+$0x0];
	_ =	sdelay $0x4  }
0x8a: {  	v1 =	vsub.f32 v2, v1;
	_ =	sdelay $0x1  }
0x8b: {  	v1 =	vmul.f32 $5.000000000e-01, v1;
	_ =	sdelay $0x1  }
0x8c: {  	v1 =	vmul.f32 $1.442695020e+00, v1;
	_ =	sdelay $0x1  }
0x8d: {  	(erf) = vpow2.f32 v1;
	_ =	sdelay $0x4  }
0x8e: {  	v1 =	vmov s12;
	v2 =	vld [tilespmem:s15+$0xFFFFFEC0]  }
0x8f: {  	v1 =	vshll.u32 v1, $0x4  }
0x90: {  	v1 =	vor.u32 v0, v1;
	_ =	sdelay $0x1  }
0x91: {  	v3 =	vpop (erf)  }
0x92: {  	v2 =	vmul.f32 v3, v2;
	_ =	sdelay $0x1  }
0x93: {  	[tilespmem:v1+s16+$0x0] =	vst.idx.msk $0xffff, v2  }
0x94: {  	v2 =	vld [tilespmem:s15+$0xFFFFFF10];
	_ =	sdelay $0x1  }
0x95: {  	v4 =	vor.u32 $0x1, v1;
	_ =	sdelay $0x2  }
0x96: {  	v2 =	vmul.f32 v3, v2;
	_ =	sdelay $0x1  }
0x97: {  	[tilespmem:v4+s16+$0x0] =	vst.idx.msk $0xffff, v2  }
0x98: {  	v2 =	vld [tilespmem:s15+$0xFFFFFF60];
	_ =	sdelay $0x1  }
0x99: {  	v4 =	vor.u32 $0x2, v1;
	_ =	sdelay $0x2  }
0x9a: {  	v2 =	vmul.f32 v2, v3;
	_ =	sdelay $0x1  }
0x9b: {  	[tilespmem:v4+s16+$0x0] =	vst.idx.msk $0xffff, v2  }
0x9c: {  	v2 =	vld [tilespmem:s15+$0xFFFFFFB0];
	_ =	sdelay $0x1  }
0x9d: {  	v4 =	vor.u32 $0x3, v1;
	_ =	sdelay $0x2  }
0x9e: {  	v2 =	vmul.f32 v2, v3;
	_ =	sdelay $0x1  }
0x9f: {  	[tilespmem:v4+s16+$0x0] =	vst.idx.msk $0xffff, v2  }
0xa0: {  	v2 =	vld [tilespmem:s15+$0x0];
	_ =	sdelay $0x1  }
0xa1: {  	v4 =	vor.u32 $0x4, v1;
	_ =	sdelay $0x2  }
0xa2: {  	v2 =	vmul.f32 v2, v3;
	_ =	sdelay $0x1  }
0xa3: {  	[tilespmem:v4+s16+$0x0] =	vst.idx.msk $0xffff, v2  }
0xa4: {  	v2 =	vld [tilespmem:s15+$0x50];
	_ =	sdelay $0x1  }
0xa5: {  	v4 =	vor.u32 $0x5, v1;
	_ =	sdelay $0x2  }
0xa6: {  	v2 =	vmul.f32 v2, v3;
	_ =	sdelay $0x1  }
0xa7: {  	[tilespmem:v4+s16+$0x0] =	vst.idx.msk $0xffff, v2  }
0xa8: {  	v2 =	vld [tilespmem:s15+$0xA0];
	_ =	sdelay $0x1  }
0xa9: {  	v4 =	vor.u32 $0x6, v1;
	_ =	sdelay $0x2  }
0xaa: {  	v2 =	vmul.f32 v2, v3;
	_ =	sdelay $0x1  }
0xab: {  	[tilespmem:v4+s16+$0x0] =	vst.idx.msk $0xffff, v2  }
0xac: {  	v2 =	vld [tilespmem:s15+$0xF0];
	_ =	sdelay $0x1  }
0xad: {  	v4 =	vor.u32 $0x7, v1  }
.Ltmp1:
0xae: {  	v1 =	vor.u32 $0x8, v1;
	(pc) =	sbr.rel @p0 .LBB2_5-.Ltmp1, $4  }
0xaf: {  	_ = 	snop  }
0xb0: {  	v5 =	vmul.f32 v2, v3  }
0xb1: {  	v2 =	vmul.f32 v3, v3  }
0xb2: {  	[tilespmem:v4+s16+$0x0] =	vst.idx.msk $0xffff, v5  }
0xb3: {  	_ =	sdelay $0x1  }
0xb4: {  	s0 =	sadd.s32 $0x1, s0  }
0xb5: {  	p0 =	sne.s32 s0, $0x3F  }
.Ltmp2:
0xb6: {  	[tilespmem:v1+s16+$0x0] =	vst.idx.msk $0xffff, v2;
	(pc) =	sbr.rel @p0 .LBB2_4-.Ltmp2, $4  }
0xb7: {  	[spmem:s3] =	stream.indirect.scatter.add.f32 [tilespmem:s16], [sflag:$0x1], $0x10, s28, s26, $0xb8;
	[tilespmem:$0xA820] =	vst v63  }
0xb8: {  	_ =	swait.ge [sflag:s14], $0x500  }
0xb9: {  	[sflag:s14] =	ssyncset.done $0x0  }
0xba: {  	[sflag:s14] =	ssyncadd.s32 $0xFFFFFB00  }
0xbb: {  	[bflag:$0x0] =	sbarrier.arrive $0xFFFF  }
0xbc: {  	[tilespmem:s29], [sflag:$0x1] =	stream.linear.gather [spmem:s10], $0x2800, $0x38;
	[tilespmem:$0xA820] =	vst v63  }
0xbd: {  	s30 =	sadd.s32 $0x1, s30;
	_ =	swait.ge [sflag:s14], $0x2800  }
0xbe: {  	p0 =	sne.s32 s30, s13;
	[sflag:s14] =	ssyncset.done $0x0  }
.Ltmp3:
0xbf: {  	s0 =	rddreg [dreg:$0x5];
	[sflag:s14] =	ssyncadd.s32 $0xFFFFD800;
	(pc) =	sbr.rel @p0 .LBB2_1-.Ltmp3, $4  }
0xc0: {  	[hbm4b:s0+s4] =	stream.linear.scatter [tilespmem:s29], [sflag:$0x1], $0x2800, $0x38;
	[tilespmem:$0xA820] =	vst v63  }
0xc1: {  	_ =	swait.ge [sflag:s14], $0x2800  }
0xc2: {  	[sflag:s14] =	ssyncset.done $0x0  }
0xc3: {  	[sflag:s14] =	ssyncadd.s32 $0xFFFFD800  }
0xc4: {  	_ =	sfence.sel $0x180000  }
0xc5: {  	[bflag:$0x0] =	sbarrier.arrive $0xFFFF  }
0xc6: {  	_ =	strace $0x9000004D  }
0xc7: {  	s0 =	stileid.u32;
	[bflag:$0x2] =	sbarrier.arrive $0xFFFF  }
0xc8: {  	p0 =	sne.s32 s0, $0x0;
	s0 =	rddreg [dreg:$0x3]  }
0xc9: {  	s0 =	sadd.s32 @!p0 $0x100000, s0  }
0xca: {  	[sflag:s0] =	ssyncadd.tile.s32 @!p0 $0x1;
	_ =	shalt  }
.Lfunc_end2:
_tile_overlayer_lowered:
.L_overlay_start_2:
0xcb: {  	(tag) =	ssettag $0x2  }
0xcc: {  	s0 =	rddreg [dreg:$0x0];
	s2 =	stileid.u32  }
0xcd: {  	s1 =	rddreg [dreg:$0x1];
	p0 =	sne.s32 s2, $0x0  }
0xce: {  	s3 =	rddreg [dreg:$0x2];
	[bflag:$0x3] =	sbarrier.arrive $0xFFFF;
	s2 =	simm.s32 @!p0 $0x1C01  }
0xcf: {  	[timem:s3], [sflag:s2] =	dma.local @!p0 [hbm:s0], s1  }
0xd0: {  	s0 =	simm.s32 @!p0 $0x1  }
0xd1: {  	_ =	swait.ge @!p0 [sflag:s0], s1  }
0xd2: {  	s1 =	ssub.s32 @!p0 $0x0, s1;
	[sflag:s0] =	ssyncset.done @!p0 $0x0  }
0xd3: {  	[sflag:s0] =	ssyncadd.s32 @!p0 s1  }
0xd4: {  	[bflag:$0x3] =	sbarrier.arrive $0xFFFF  }
0xd5: {  	_ =	shalt  }

// kernel: kernel.7.cloned.1.call-start
scs
__scs_entry_jumppad:
0x0: {  	(pc) =	sbr.rel $0x88, $3  }
0x1: {  	(tag) =	ssettag $0x0;
	lr =	simm.s32 $0x1  }
0x2: {  	[smem:$0x3F98] =	sst lr;
	_ =	strace $0xD0000000  }
0x3: {  	_ = 	snop  }
0x4: {  	_ = 	snop  }
0x5: {  	_ = 	snop  }
0x6: {  	_ = 	snop  }
0x7: {  	_ = 	snop  }
__scs_overlays_trampoline_lowered:
0x8: {  	[smem:$0x3FA7] =	sst s0  }
0x9: {  	[smem:$0x3FA8] =	sst s1  }
0xa: {  	[smem:$0x3FA9] =	sst s2  }
0xb: {  	[smem:$0x3FAA] =	sst s3  }
0xc: {  	[smem:$0x3FAB] =	sst s4  }
0xd: {  	[smem:$0x3FAC] =	sst s5  }
0xe: {  	[smem:$0x3FAD] =	sst s6  }
0xf: {  	[smem:$0x3FAE] =	sst s7  }
0x10: {  	[smem:$0x3FAF] =	sst s8  }
0x11: {  	[smem:$0x3FB0] =	sst s9;
	s0 =	simm.s32 @!p0 $0x0  }
0x12: {  	s1 =	sld [smem:$0x3F96];
	s0 =	simm.s32 @p0 $0x1  }
0x13: {  	[smem:$0x3FB1] =	sst s0;
	s0 =	simm.s32 @!p1 $0x0  }
0x14: {  	s2 =	sld [smem:$0x3F95];
	s0 =	simm.s32 @p1 $0x1  }
0x15: {  	[smem:$0x3FB2] =	sst s0;
	s0 =	simm.s32 @!p2 $0x0  }
0x16: {  	s3 =	sld [smem:$0x3FDB];
	s0 =	simm.s32 @p2 $0x1  }
0x17: {  	s4 =	simm.s32 $0x1BF5;
	[smem:$0x3FB4] =	sst s0  }
0x18: {  	s0 =	sld [smem:$0x3F97];
	_ =	swait.ge [sflag:s4], $0x0  }
0x19: {  	s7 =	sld [smem:$0x3F98]  }
0x1a: {  	s8 =	sadd.s32 $0xFFFFE003, lr  }
0x1b: {  	s9 =	sadd.s32 $0xFFFFFEF7, lr;
	s5 =	simm.s32 $0xFFFFFFFF;
	p2 =	slt.u32 s8, $0xFFFFF086  }
0x1c: {  	p1 =	slt.u32 s9, $0xF7A;
	s5 =	simm.s32 @!p2 $0x0  }
0x1d: {  	s5 =	simm.s32 @p1 $0x1;
	p0 =	seq.s32 s7, s2  }
0x1e: {  	s7 =	smul.u32 @!p0 $0xF7A, s2;
	p2 =	seq.s32 @!p0 s5, $0x0  }
0x1f: {  	s9 =	smul.u32 $0xF7A, s1;
	s8 =	simm.s32 @!p0 $0x1BF5;
	p2 =	por !p2, p0  }
0x20: {  	[sflag:s8] =	ssyncset.s32 @!p0 $0xFFFFF086;
	s6 =	sadd.s32 @!p0 s3, s7;
	s7 =	simm.s32 @!p0 $0x108  }
0x21: {  	s3 =	sadd.s32 s3, s9;
	s6 =	sadd.s32 @!p0 $0x88, s6;
	s7 =	simm.s32 @p2 $0x1082  }
0x22: {  	[simem:s7], [sflag:s8] =	dma.local @!p0 [hbm:s6], $0xF7A  }
0x23: {  	s9 =	sor.u32 $0xD0000000, s2;
	s6 =	simm.s32 $0x108;
	_ =	swait.ge @!p0 [sflag:s8], $0x0  }
0x24: {  	s3 =	sadd.s32 $0x88, s3;
	s6 =	simm.s32 @!p1 $0x1082;
	[sflag:s4] =	ssyncset.s32 $0xFFFFF086  }
0x25: {  	[simem:s6], [sflag:s4] =	dma.local [hbm:s3], $0xF7A  }
0x26: {  	[smem:$0x3F98] =	sst s1;
	(tag) =	ssettag s2;
	_ =	strace s9  }
0x27: {  	s1 =	sld [smem:$0x3FA8]  }
0x28: {  	s2 =	sld [smem:$0x3FA9]  }
0x29: {  	s4 =	sld [smem:$0x3FAB]  }
0x2a: {  	p0 =	seq.s32 s5, $0x0;
	s5 =	sld [smem:$0x3FAC]  }
0x2b: {  	s6 =	sld [smem:$0x3FAD]  }
0x2c: {  	s7 =	sld [smem:$0x3FAE]  }
0x2d: {  	s3 =	simm.s32 $0x108;
	s8 =	sld [smem:$0x3FAF]  }
0x2e: {  	s3 =	simm.s32 @!p0 $0x1082;
	s9 =	sld [smem:$0x3FB0]  }
0x2f: {  	lr =	sadd.s32 s0, s3;
	s0 =	sld [smem:$0x3FA7]  }
0x30: {  	s3 =	sld [smem:$0x3FAA]  }
0x31: {  	[smem:$0x3FB3] =	sst s10  }
0x32: {  	s10 =	sld [smem:$0x3FB1];
	_ =	sdelay $0x3  }
0x33: {  	p0 =	seq.s32 s10, $0x1;
	s10 =	sld [smem:$0x3FB3];
	_ =	sdelay $0x3  }
0x34: {  	[smem:$0x3FB3] =	sst s10  }
0x35: {  	s10 =	sld [smem:$0x3FB2];
	_ =	sdelay $0x3  }
0x36: {  	p1 =	seq.s32 s10, $0x1;
	s10 =	sld [smem:$0x3FB3];
	_ =	sdelay $0x3  }
0x37: {  	[smem:$0x3FB3] =	sst s10  }
0x38: {  	s10 =	sld [smem:$0x3FB4]  }
0x39: {  	_ = 	snop;
	(pc) =	sbr.ind lr, $3  }
0x3a: {  	_ = 	snop  }
0x3b: {  	_ = 	snop  }
0x3c: {  	p2 =	seq.s32 s10, $0x1;
	s10 =	sld [smem:$0x3FB3]  }
0x3d: {  	_ =	shalt  }
0x3e: {  	_ =	shalt  }
0x3f: {  	_ =	shalt  }
0x40: {  	_ =	shalt  }
0x41: {  	_ =	shalt  }
0x42: {  	_ =	shalt  }
0x43: {  	_ =	shalt  }
0x44: {  	_ =	shalt  }
0x45: {  	_ =	shalt  }
0x46: {  	_ =	shalt  }
0x47: {  	_ =	shalt  }
0x48: {  	_ =	shalt  }
0x49: {  	_ =	shalt  }
0x4a: {  	_ =	shalt  }
0x4b: {  	_ =	shalt  }
0x4c: {  	_ =	shalt  }
0x4d: {  	_ =	shalt  }
0x4e: {  	_ =	shalt  }
0x4f: {  	_ =	shalt  }
0x50: {  	_ =	shalt  }
0x51: {  	_ =	shalt  }
0x52: {  	_ =	shalt  }
0x53: {  	_ =	shalt  }
0x54: {  	_ =	shalt  }
0x55: {  	_ =	shalt  }
0x56: {  	_ =	shalt  }
0x57: {  	_ =	shalt  }
0x58: {  	_ =	shalt  }
0x59: {  	_ =	shalt  }
0x5a: {  	_ =	shalt  }
0x5b: {  	_ =	shalt  }
0x5c: {  	_ =	shalt  }
0x5d: {  	_ =	shalt  }
0x5e: {  	_ =	shalt  }
0x5f: {  	_ =	shalt  }
0x60: {  	_ =	shalt  }
0x61: {  	_ =	shalt  }
0x62: {  	_ =	shalt  }
0x63: {  	_ =	shalt  }
0x64: {  	_ =	shalt  }
0x65: {  	_ =	shalt  }
0x66: {  	_ =	shalt  }
0x67: {  	_ =	shalt  }
0x68: {  	_ =	shalt  }
0x69: {  	_ =	shalt  }
0x6a: {  	_ =	shalt  }
0x6b: {  	_ =	shalt  }
0x6c: {  	_ =	shalt  }
0x6d: {  	_ =	shalt  }
0x6e: {  	_ =	shalt  }
0x6f: {  	_ =	shalt  }
0x70: {  	_ =	shalt  }
0x71: {  	_ =	shalt  }
0x72: {  	_ =	shalt  }
0x73: {  	_ =	shalt  }
0x74: {  	_ =	shalt  }
0x75: {  	_ =	shalt  }
0x76: {  	_ =	shalt  }
0x77: {  	_ =	shalt  }
0x78: {  	_ =	shalt  }
0x79: {  	_ =	shalt  }
0x7a: {  	_ =	shalt  }
0x7b: {  	_ =	shalt  }
0x7c: {  	_ =	shalt  }
0x7d: {  	_ =	shalt  }
0x7e: {  	_ =	shalt  }
0x7f: {  	_ =	shalt  }
0x80: {  	_ =	shalt  }
0x81: {  	_ =	shalt  }
0x82: {  	_ =	shalt  }
0x83: {  	_ =	shalt  }
0x84: {  	_ =	shalt  }
0x85: {  	_ =	shalt  }
0x86: {  	_ =	shalt  }
0x87: {  	_ =	shalt  }
.Lfunc_end0:
.L_simem_size_0:
called_computation_lowered:
.L_overlay_start_0:
0x88: {  	s2 =	sld [smem:$0x3FD9]  }
0x89: {  	s3 =	sld [smem:$0x3FFE];
	_ =	sdelay $0x1  }
0x8a: {  	s1 =	srdreg.scid  }
0x8b: {  	s0 =	sand.u32 $0x1, s1  }
0x8c: {  	s16 =	sshll.u32 s0, $0xA;
	s2 =	sadd.s32 s3, s2  }
0x8d: {  	s2 =	sadd.s32 s2, s16  }
0x8e: {  	[smem:$0x3FBF] =	sst s2  }
0x8f: {  	_ = 	snop  }
0x90: {  	(tm) =	ssettm $0x1  }
0x91: {  	s17 =	sld [smem:$0x3FFB];
	_ =	sdelay $0x3  }
0x92: {  	_ =	strace s17  }
0x93: {  	s2 =	sld [smem:$0x3FFC];
	_ =	sdelay $0x3  }
0x94: {  	_ =	strace s2  }
0x95: {  	s2 =	sld [smem:$0x3FFD];
	_ =	sdelay $0x3  }
0x96: {  	_ =	strace s2  }
0x97: {  	_ =	strace $0x8FFFFFFF  }
0x98: {  	s18 =	sld [smem:$0x3FDB];
	_ =	sdelay $0x1  }
0x99: {  	s19 =	simm.s32 $_scs_section_size  }
0x9a: {  	s4 =	simm.s32 $_size__tile_overlayer_lowered;
	s5 =	simm.s32 $_tile_overlayer_lowered  }
0x9b: {  	s22 =	simm.s32 $0x1BFF;
	s21 =	sshll.u32 s5, $0x1;
	s2 =	sadd.s32 s19, s18  }
0x9c: {  	s6 =	simm.s32 $0x0;
	s20 =	sshll.u32 s4, $0x1;
	s4 =	sadd.s32 s21, s2  }
0x9d: {  	[timem:s6], [sflag:s22] =	dma.local [hbm:s4], s20  }
0x9e: {  	_ =	swait.ge [sflag:s22], s20  }
0x9f: {  	s3 =	ssub.s32 $0x0, s20;
	[sflag:s22] =	ssyncset.done $0x0  }
0xa0: {  	[sflag:s22] =	ssyncadd.s32 s3;
	_ =	sdelay $0x1  }
0xa1: {  	s23 =	simm.s32 $0x1B8B  }
0xa2: {  	_ =	swait.ge [sflag:s23], $0x1  }
0xa3: {  	[sflag:s23] =	ssyncset.done $0x0  }
0xa4: {  	s25 =	simm.s32 $0x1B8E;
	s24 =	sld [smem:$0x3FFE];
	[sflag:s23] =	ssyncadd.s32 $0xFFFFFFFF  }
0xa5: {  	s26 =	simm.s32 $execute0_lowered;
	[smem:$0x3FD2] =	sst s25  }
0xa6: {  	s4 =	sshll.u32 s26, $0x1;
	_ =	strace $0x80000046;
	[dreg:$0x1] =	wrdreg $0xFFFFFFFF  }
0xa7: {  	s28 =	simm.s32 $_size_execute0_lowered;
	s2 =	sadd.s32 s2, s4;
	[dreg:$0x0] =	wrdreg $0x0  }
0xa8: {  	s4 =	sshll.u32 s28, $0x1;
	[dreg:$0x2] =	wrdreg s2  }
0xa9: {  	[dreg:$0x3] =	wrdreg s4  }
0xaa: {  	[dreg:$0x4] =	wrdreg $0xC0  }
0xab: {  	_ =	task [dreg:s6], $0x5FFFF  }
0xac: {  	[dreg:$0x1] =	wrdreg $0xFFFFFFFF  }
0xad: {  	[dreg:$0x0] =	wrdreg $0x60  }
0xae: {  	[dreg:$0x2] =	wrdreg s24  }
0xaf: {  	[dreg:$0x3] =	wrdreg $0x9  }
0xb0: {  	_ =	task.clear_ibuf [dreg:s6], $0x4FFFF;
	_ =	strace $0x90000046  }
0xb1: {  	s29 =	simm.s32 $0x9;
	_ =	strace $0x80000048  }
0xb2: {  	_ =	swait.ge [sflag:s29], $0x1  }
0xb3: {  	[sflag:s29] =	ssyncadd.s32 $0xFFFFFFFF  }
0xb4: {  	_ =	strace $0x90000048  }
0xb5: {  	_ =	sfence  }
0xb6: {  	s30 =	sld [smem:$0x0];
	_ =	sdelay $0x2  }
0xb7: {  	s31 =	sshll.u32 s1, $0xD;
	s1 =	sshrl.u32 s1, $0x2  }
0xb8: {  	s3 =	sand.u32 $0x4000, s31;
	s1 =	sadd.s32 s1, s30  }
0xb9: {  	s0 =	sor.u32 s3, s0;
	s1 =	sshll.u32 s1, $0x11  }
0xba: {  	s0 =	sor.u32 s1, s0  }
0xbb: {  	s0 =	sadd.s32 $0x8F2B, s0  }
0xbc: {  	[sflag:s0] =	ssyncadd.remote.s32 $0x1  }
0xbd: {  	_ =	sfence.sel $0xFFFF  }
0xbe: {  	[dreg:$0x0] =	wrdreg $0xFFFFFFFF;
	(pc) =	sbr.abs _section_cstart, $3  }
0xbf: {  	[dreg:$0x1] =	wrdreg $0xFFFFFFFF  }
0xc0: {  	_ =	task.clear_ibuf [dreg:s6], $0x2FFFF;
	_ =	strace $0x9FFFFFFF  }
0xc1: {  	(tm) =	ssettm $0x7FFFFFFF  }
tec
execute0_lowered:
.L_overlay_start_1:
0x0: {  	(tag) =	ssettag $0x1  }
0x1: {  	s5 =	rddreg [dreg:$0x0]  }
0x2: {  	s0 =	rddreg [dreg:$0x1]  }
0x3: {  	s3 =	srdreg.scid;
	s1 =	stileid.u32;
	s2 =	simm.s32 $0x0  }
0x4: {  	s12 =	simm.s32 $0x3F0;
	s13 =	simm.s32 $0xC4E0;
	s4 =	smul.u32 $0x2760, s1  }
0x5: {  	s14 =	simm.s32 $0x1;
	s15 =	simm.s32 $0x2;
	s8 =	smul.u32 $0xEC40, s1  }
0x6: {  	s16 =	simm.s32 $0x0;
	s6 =	sand.u32 $0x1, s3;
	s9 =	smul.u32 $0x4EC0, s1  }
0x7: {  	[smem:$0x7FF] =	sst s2;
	s3 =	sadd.s32 $0x1C00, s5;
	s7 =	smul.u32 $0x13B0, s6  }
0x8: {  	_ =	strace $0x80000047;
	s10 =	smul.u32 $0x7620, s6;
	s29 =	ssub.s32 $0x2, s6  }
0x9: {  	s6 =	smul.u32 $0x2760, s6;
	s8 =	sadd.s32 s8, s5;
	s7 =	sadd.s32 s7, s4  }
0xa: {  	s30 =	sshrl.u32 s29, $0x1;
	s4 =	sadd.s32 $0x10800, s5;
	s7 =	sshrl.u32 s7, $0x3  }
0xb: {  	s8 =	sadd.s32 s10, s8;
	s11 =	sadd.s32 s7, s5;
	s5 =	sadd.s32 s9, s5  }
0xc: {  	s10 =	simm.s32 $0x3;
	s7 =	ssub.s32 s29, s30;
	s31 =	sadd.s32 s6, s5  }
0xd: {  	s5 =	smax.u32 s7, $0x1;
	s6 =	sadd.s32 $0x1F800, s8;
	s8 =	sadd.s32 $0x15800, s11  }
0xe: {  	s9 =	sadd.s32 $0x1A800, s11;
	s11 =	simm.s32 $0xC0F0;
	s7 =	sadd.s32 $0x10BC00, s31  }
.LBB2_1:
0xf: {  	s17 =	sadd.s32 $0x0, s9  }
0x10: {  	[tilespmem:s2], [sflag:$0x3] =	stream.linear.gather [hbm4b:s17+s2], $0x3F0, $0x38;
	[tilespmem:$0x103E0] =	vst v63  }
0x11: {  	_ =	swait.ge [sflag:s10], $0x3F0  }
0x12: {  	[sflag:s10] =	ssyncset.done $0x0  }
0x13: {  	s31 =	sadd.s32 $0x0, s8;
	[sflag:s10] =	ssyncadd.s32 $0xFFFFFC10  }
0x14: {  	[tilespmem:s11], [sflag:$0x3] =	stream.linear.gather [hbm4b:s31+s2], $0x3F0, $0x38;
	[tilespmem:$0x103E0] =	vst v63  }
0x15: {  	_ =	swait.ge [sflag:s10], $0x3F0  }
0x16: {  	[sflag:s10] =	ssyncset.done $0x0  }
0x17: {  	[sflag:s10] =	ssyncadd.s32 $0xFFFFFC10  }
0x18: {  	[tilespmem:s12], [sflag:$0x1] =	stream.indirect.gather [hbm4b:s3+s12], $0x30, s2, s12, $0xb8;
	[tilespmem:$0x103E0] =	vst v63  }
0x19: {  	_ = 	snop  }
0x1a: {  	[tilespmem:s13], [sflag:$0x2] =	stream.indirect.gather [hbm4b:s4+s12], $0x10, s11, s12, $0xb8;
	[tilespmem:$0x103E0] =	vst v63  }
0x1b: {  	_ =	swait.ge [sflag:s14], $0xBD00  }
0x1c: {  	[sflag:s14] =	ssyncset.done $0x0  }
0x1d: {  	[sflag:s14] =	ssyncadd.s32 $0xFFFF4300  }
0x1e: {  	_ =	swait.ge [sflag:s15], $0x3F00  }
0x1f: {  	[sflag:s15] =	ssyncset.done $0x0  }
0x20: {  	[sflag:s15] =	ssyncadd.s32 $0xFFFFC100  }
0x21: {  	[hbm4b:s6+s2] =	stream.linear.scatter [tilespmem:s12], [sflag:$0x3], $0xBD00, $0x38;
	[tilespmem:$0x103E0] =	vst v63  }
0x22: {  	_ =	swait.ge [sflag:s10], $0xBD00  }
0x23: {  	[sflag:s10] =	ssyncset.done $0x0  }
0x24: {  	[sflag:s10] =	ssyncadd.s32 $0xFFFF4300  }
0x25: {  	[hbm4b:s7+s2] =	stream.linear.scatter [tilespmem:s13], [sflag:$0x3], $0x3F00, $0x38;
	[tilespmem:$0x103E0] =	vst v63  }
0x26: {  	s19 =	simm.s32 $0x7E;
	s20 =	simm.s32 $0xFC;
	_ =	swait.ge [sflag:s10], $0x3F00  }
0x27: {  	s18 =	sadd.s32 $0x17A0, s6;
	s17 =	sadd.s32 $0x7E0, s7;
	[sflag:s10] =	ssyncset.done $0x0  }
.LBB2_2:
0x28: {  	s21 =	sadd.s32 s19, s9  }
0x29: {  	[sflag:s10] =	ssyncadd.s32 $0xFFFFC100;
	s22 =	smov.u32 s20;
	s23 =	sadd.s32 $0x7E, s20  }
0x2a: {  	[tilespmem:s2], [sflag:$0x3] =	stream.linear.gather [hbm4b:s21+s2], $0x3F0, $0x38;
	[tilespmem:$0x103E0] =	vst v63  }
0x2b: {  	p0 =	sne.s32 s20, $0x1F8;
	_ =	swait.ge [sflag:s10], $0x3F0  }
0x2c: {  	[sflag:s10] =	ssyncset.done $0x0  }
0x2d: {  	s20 =	sadd.s32 s19, s8;
	s19 =	smov.u32 s22;
	[sflag:s10] =	ssyncadd.s32 $0xFFFFFC10  }
0x2e: {  	[tilespmem:s11], [sflag:$0x3] =	stream.linear.gather [hbm4b:s20+s2], $0x3F0, $0x38;
	[tilespmem:$0x103E0] =	vst v63  }
0x2f: {  	_ =	swait.ge [sflag:s10], $0x3F0  }
0x30: {  	[sflag:s10] =	ssyncset.done $0x0  }
0x31: {  	[sflag:s10] =	ssyncadd.s32 $0xFFFFFC10  }
0x32: {  	[tilespmem:s12], [sflag:$0x1] =	stream.indirect.gather [hbm4b:s3+s12], $0x30, s2, s12, $0xb8;
	[tilespmem:$0x103E0] =	vst v63  }
0x33: {  	_ = 	snop  }
0x34: {  	[tilespmem:s13], [sflag:$0x2] =	stream.indirect.gather [hbm4b:s4+s12], $0x10, s11, s12, $0xb8;
	[tilespmem:$0x103E0] =	vst v63  }
0x35: {  	_ =	swait.ge [sflag:s14], $0xBD00  }
0x36: {  	[sflag:s14] =	ssyncset.done $0x0  }
0x37: {  	[sflag:s14] =	ssyncadd.s32 $0xFFFF4300  }
0x38: {  	_ =	swait.ge [sflag:s15], $0x3F00  }
0x39: {  	[sflag:s15] =	ssyncset.done $0x0  }
0x3a: {  	[sflag:s15] =	ssyncadd.s32 $0xFFFFC100  }
0x3b: {  	[hbm4b:s18+s2] =	stream.linear.scatter [tilespmem:s12], [sflag:$0x3], $0xBD00, $0x38;
	[tilespmem:$0x103E0] =	vst v63  }
0x3c: {  	_ =	swait.ge [sflag:s10], $0xBD00  }
.Ltmp0:
0x3d: {  	[sflag:s10] =	ssyncset.done $0x0;
	(pc) =	sbr.rel @p0 .LBB2_2-.Ltmp0, $4  }
0x3e: {  	[sflag:s10] =	ssyncadd.s32 $0xFFFF4300  }
0x3f: {  	[hbm4b:s17+s2] =	stream.linear.scatter [tilespmem:s13], [sflag:$0x3], $0x3F00, $0x38;
	[tilespmem:$0x103E0] =	vst v63  }
0x40: {  	s20 =	smov.u32 s23;
	_ =	swait.ge [sflag:s10], $0x3F00  }
0x41: {  	s18 =	sadd.s32 $0x17A0, s18;
	s17 =	sadd.s32 $0x7E0, s17;
	[sflag:s10] =	ssyncset.done $0x0  }
0x42: {  	s20 =	sadd.s32 s19, s9;
	[sflag:s10] =	ssyncadd.s32 $0xFFFFC100  }
0x43: {  	[tilespmem:s2], [sflag:$0x3] =	stream.linear.gather [hbm4b:s20+s2], $0x3F0, $0x38;
	[tilespmem:$0x103E0] =	vst v63  }
0x44: {  	_ =	swait.ge [sflag:s10], $0x3F0  }
0x45: {  	[sflag:s10] =	ssyncset.done $0x0  }
0x46: {  	s31 =	sadd.s32 s19, s8;
	[sflag:s10] =	ssyncadd.s32 $0xFFFFFC10  }
0x47: {  	[tilespmem:s11], [sflag:$0x3] =	stream.linear.gather [hbm4b:s31+s2], $0x3F0, $0x38;
	[tilespmem:$0x103E0] =	vst v63  }
0x48: {  	_ =	swait.ge [sflag:s10], $0x3F0  }
0x49: {  	[sflag:s10] =	ssyncset.done $0x0  }
0x4a: {  	[sflag:s10] =	ssyncadd.s32 $0xFFFFFC10  }
0x4b: {  	[tilespmem:s12], [sflag:$0x1] =	stream.indirect.gather [hbm4b:s3+s12], $0x30, s2, s12, $0xb8;
	[tilespmem:$0x103E0] =	vst v63  }
0x4c: {  	_ = 	snop  }
0x4d: {  	[tilespmem:s13], [sflag:$0x2] =	stream.indirect.gather [hbm4b:s4+s12], $0x10, s11, s12, $0xb8;
	[tilespmem:$0x103E0] =	vst v63  }
0x4e: {  	_ =	swait.ge [sflag:s14], $0xBD00  }
0x4f: {  	[sflag:s14] =	ssyncset.done $0x0  }
0x50: {  	[sflag:s14] =	ssyncadd.s32 $0xFFFF4300  }
0x51: {  	_ =	swait.ge [sflag:s15], $0x3F00  }
0x52: {  	[sflag:s15] =	ssyncset.done $0x0  }
0x53: {  	[sflag:s15] =	ssyncadd.s32 $0xFFFFC100  }
0x54: {  	[hbm4b:s18+s2] =	stream.linear.scatter [tilespmem:s12], [sflag:$0x3], $0xBD00, $0x38;
	[tilespmem:$0x103E0] =	vst v63  }
0x55: {  	s16 =	sadd.s32 $0x1, s16;
	_ =	swait.ge [sflag:s10], $0xBD00  }
0x56: {  	p0 =	sne.s32 s16, s5;
	[sflag:s10] =	ssyncset.done $0x0  }
.Ltmp1:
0x57: {  	[sflag:s10] =	ssyncadd.s32 $0xFFFF4300;
	(pc) =	sbr.rel @p0 .LBB2_1-.Ltmp1, $4  }
0x58: {  	[hbm4b:s17+s2] =	stream.linear.scatter [tilespmem:s13], [sflag:$0x3], $0x3F00, $0x38;
	[tilespmem:$0x103E0] =	vst v63  }
0x59: {  	_ =	swait.ge [sflag:s10], $0x3F00  }
0x5a: {  	[sflag:s10] =	ssyncset.done $0x0  }
0x5b: {  	[sflag:s10] =	ssyncadd.s32 $0xFFFFC100  }
0x5c: {  	_ =	sfence.sel $0x180000  }
0x5d: {  	[bflag:$0x0] =	sbarrier.arrive $0xFFFF  }
0x5e: {  	p0 =	sne.s32 s1, $0x0;
	_ =	strace $0x90000047  }
0x5f: {  	s0 =	sadd.s32 @!p0 $0x100000, s0;
	[bflag:$0x2] =	sbarrier.arrive $0xFFFF  }
0x60: {  	[sflag:s0] =	ssyncadd.tile.s32 @!p0 $0x1;
	_ =	shalt  }
.Lfunc_end2:
_tile_overlayer_lowered:
.L_overlay_start_2:
0x61: {  	(tag) =	ssettag $0x2  }
0x62: {  	s0 =	rddreg [dreg:$0x0];
	s2 =	stileid.u32  }
0x63: {  	s1 =	rddreg [dreg:$0x1];
	p0 =	sne.s32 s2, $0x0  }
0x64: {  	s3 =	rddreg [dreg:$0x2];
	[bflag:$0x3] =	sbarrier.arrive $0xFFFF;
	s2 =	simm.s32 @!p0 $0x1C03  }
0x65: {  	[timem:s3], [sflag:s2] =	dma.local @!p0 [hbm:s0], s1  }
0x66: {  	s0 =	simm.s32 @!p0 $0x3  }
0x67: {  	_ =	swait.ge @!p0 [sflag:s0], s1  }
0x68: {  	s1 =	ssub.s32 @!p0 $0x0, s1;
	[sflag:s0] =	ssyncset.done @!p0 $0x0  }
0x69: {  	[sflag:s0] =	ssyncadd.s32 @!p0 s1  }
0x6a: {  	[bflag:$0x3] =	sbarrier.arrive $0xFFFF  }
0x6b: {  	_ =	shalt  }

</sc_bundles>
